<compile_context>
chip_gen: v7x
topology: tpu7x:2x2x1
jax: 0.10.2.dev20260603
libtpu: 0.0.44.dev20260713+nightly
codegen_flags: <defaults>
</compile_context>

<pallas_src>
import functools

import jax
import jax.numpy as jnp
from jax import lax
from jax.experimental import pallas as pl
from jax.experimental.pallas import tpu as pltpu
from jax.experimental.pallas import tpu_sc as plsc

E = 320000
D = 128
A = 16
NC = 2
NS = 16
NW = NC * NS
EPW = E // NW
CH = 80
NCHUNK = EPW // CH
NPAIR = NCHUNK // 2

_mesh = plsc.VectorSubcoreMesh(core_axis_name="c", subcore_axis_name="s")


@functools.partial(
    pl.kernel,
    out_type=jax.ShapeDtypeStruct((E, 2 * D + A), jnp.float32),
    mesh=_mesh,
    scratch_types=[
        pltpu.VMEM((NCHUNK, CH), jnp.int32),
        pltpu.VMEM((NCHUNK, CH), jnp.int32),
        pltpu.VMEM((CH, D), jnp.float32),
        pltpu.VMEM((CH, D), jnp.float32),
        pltpu.VMEM((CH, D), jnp.float32),
        pltpu.VMEM((CH, D), jnp.float32),
        pltpu.VMEM((CH, A), jnp.float32),
        pltpu.VMEM((CH, A), jnp.float32),
        pltpu.SemaphoreType.DMA,
        pltpu.SemaphoreType.DMA,
        pltpu.SemaphoreType.DMA,
        pltpu.SemaphoreType.DMA,
    ],
)
def _edge_concat(x_hbm, ei_hbm, ea_hbm, out_hbm,
                 sidx, didx, sbuf0, sbuf1, dbuf0, dbuf1, abuf0, abuf1,
                 rsem0, rsem1, wsem0, wsem1):
    wid = lax.axis_index("s") * NC + lax.axis_index("c")
    base = wid * EPW

    pltpu.sync_copy(ei_hbm.at[0, wid], sidx)
    pltpu.sync_copy(ei_hbm.at[1, wid], didx)

    def issue_reads(j, sbuf, dbuf, abuf, rsem):
        gbase = base + j * CH
        pltpu.async_copy(x_hbm.at[sidx.at[j]], sbuf, rsem)
        pltpu.async_copy(x_hbm.at[didx.at[j]], dbuf, rsem)
        pltpu.async_copy(ea_hbm.at[pl.ds(gbase, CH)], abuf, rsem)

    def wait_reads(sbuf, dbuf, abuf, rsem):
        pltpu.make_async_copy(x_hbm.at[sidx.at[0]], sbuf, rsem).wait()
        pltpu.make_async_copy(x_hbm.at[didx.at[0]], dbuf, rsem).wait()
        pltpu.make_async_copy(ea_hbm.at[pl.ds(base, CH)], abuf, rsem).wait()

    def issue_writes(j, sbuf, dbuf, abuf, wsem):
        gbase = base + j * CH
        pltpu.async_copy(sbuf, out_hbm.at[pl.ds(gbase, CH), pl.ds(0, D)], wsem)
        pltpu.async_copy(dbuf, out_hbm.at[pl.ds(gbase, CH), pl.ds(D, D)], wsem)
        pltpu.async_copy(abuf, out_hbm.at[pl.ds(gbase, CH), pl.ds(2 * D, A)], wsem)

    def wait_writes(sbuf, dbuf, abuf, wsem):
        pltpu.make_async_copy(sbuf, out_hbm.at[pl.ds(base, CH), pl.ds(0, D)], wsem).wait()
        pltpu.make_async_copy(dbuf, out_hbm.at[pl.ds(base, CH), pl.ds(D, D)], wsem).wait()
        pltpu.make_async_copy(abuf, out_hbm.at[pl.ds(base, CH), pl.ds(2 * D, A)], wsem).wait()

    issue_reads(0, sbuf0, dbuf0, abuf0, rsem0)

    def pair(g, carry):
        j0 = 2 * g
        j1 = j0 + 1

        @pl.when(g > 0)
        def _():
            wait_writes(sbuf1, dbuf1, abuf1, wsem1)
        issue_reads(j1, sbuf1, dbuf1, abuf1, rsem1)
        wait_reads(sbuf0, dbuf0, abuf0, rsem0)
        issue_writes(j0, sbuf0, dbuf0, abuf0, wsem0)

        wait_writes(sbuf0, dbuf0, abuf0, wsem0)
        issue_reads(j0 + 2, sbuf0, dbuf0, abuf0, rsem0)
        wait_reads(sbuf1, dbuf1, abuf1, rsem1)
        issue_writes(j1, sbuf1, dbuf1, abuf1, wsem1)
        return carry

    lax.fori_loop(0, NPAIR, pair, 0)

    wait_writes(sbuf1, dbuf1, abuf1, wsem1)
    wait_reads(sbuf0, dbuf0, abuf0, rsem0)
    issue_writes(NCHUNK - 1, sbuf0, dbuf0, abuf0, wsem0)
    wait_writes(sbuf0, dbuf0, abuf0, wsem0)


def kernel(x, edge_index, edge_attr):
    ei = edge_index.astype(jnp.int32).reshape(2, NW, NCHUNK, CH)
    return _edge_concat(x, ei, edge_attr)

# --- scband reference (transcript-rebuilt; emitter-appended) ---
"""Pipeline reference for scband-edge-con-cat-19662360281540 (READ-ONLY COPY).

The authoritative reference and input builder live on the scoring server;
editing this copy changes nothing except your own understanding.
"""

import jax, jax.numpy as jnp
import numpy as np


def setup_inputs(seed: int = 0) -> dict:
    key = jax.random.key(seed)
    k1, k2, k3 = jax.random.split(key, 3)
    x = jax.random.normal(k1, (10000, 128), dtype=jnp.float32)
    edge_index = jax.random.randint(k2, (2, 320000), 0, 10000, dtype=jnp.int64)
    edge_attr = jax.random.normal(k3, (320000, 16), dtype=jnp.float32)
    return {"x": x, "edge_index": edge_index, "edge_attr": edge_attr}


def reference(x, edge_index, edge_attr):
    src = edge_index[0]
    dest = edge_index[1]
    x_src = jnp.take(x, src, axis=0)
    x_dest = jnp.take(x, dest, axis=0)
    out = jnp.concatenate([x_src, x_dest, edge_attr], axis=1)
    return out

if __name__ == "__main__":
    import jax
    _d = setup_inputs()
    print(jax.jit(kernel)(*tuple(_d.values())))

</pallas_src>

<mosaic_0001>
#map = affine_map<(d0, d1) -> (0, 0)>
#map1 = affine_map<(d0, d1) -> (0, 0, 0, 0)>
module attributes {stable_mosaic.version = 14 : i64} {
  func.func @_edge_concat(%arg0: i32, %arg1: i32, %arg2: memref<10000x128xf32, #tpu.memory_space<hbm>>, %arg3: memref<2x32x125x80xi32, #tpu.memory_space<hbm>>, %arg4: memref<320000x16xf32, #tpu.memory_space<hbm>>, %arg5: memref<320000x272xf32, #tpu.memory_space<hbm>>, %arg6: memref<125x80xi32, #tpu.memory_space<vmem>>, %arg7: memref<125x80xi32, #tpu.memory_space<vmem>>, %arg8: memref<80x128xf32, #tpu.memory_space<vmem>>, %arg9: memref<80x128xf32, #tpu.memory_space<vmem>>, %arg10: memref<80x128xf32, #tpu.memory_space<vmem>>, %arg11: memref<80x128xf32, #tpu.memory_space<vmem>>, %arg12: memref<80x16xf32, #tpu.memory_space<vmem>>, %arg13: memref<80x16xf32, #tpu.memory_space<vmem>>, %arg14: memref<!tpu.dma_semaphore, #tpu.memory_space<semaphore_mem>>, %arg15: memref<!tpu.dma_semaphore, #tpu.memory_space<semaphore_mem>>, %arg16: memref<!tpu.dma_semaphore, #tpu.memory_space<semaphore_mem>>, %arg17: memref<!tpu.dma_semaphore, #tpu.memory_space<semaphore_mem>>) attributes {dimension_semantics = [#tpu.dimension_semantics<core_parallel>, #tpu.dimension_semantics<subcore_parallel>], iteration_bounds = array<i64: 2, 16>, scalar_prefetch = 0 : i64, scratch_operands = 12 : i64, tpu.core_type = #tpu.core_type<sc_vector_subcore>, window_params = [{transform_indices = #map}, {transform_indices = #map1}, {transform_indices = #map}, {transform_indices = #map}]} {
    %mul3A = arith.constant 2 : i32
    %mul3A_0 = arith.muli %arg1, %mul3A : i32
    %add3A = arith.addi %mul3A_0, %arg0 : i32
    %mul3A_1 = arith.constant 10000 : i32
    %mul3A_2 = arith.muli %add3A, %mul3A_1 : i32
    %run_scoped3A = arith.constant 0 : i32
    "tpu.region"() ({
      %run_scoped3A_83 = tpu.sem_alloc : memref<!tpu.dma_semaphore, #tpu.memory_space<semaphore_mem>>
      %dma_start3A_84 = arith.constant 0 : i32
      %dma_start3A_85 = arith.constant 0 : i32
      %dma_start3A_86 = tpu.memref_slice %arg3[%run_scoped3A, %add3A, %dma_start3A_84, %dma_start3A_85] : memref<2x32x125x80xi32, #tpu.memory_space<hbm>> -> memref<1x1x125x80xi32, #tpu.memory_space<hbm>>
      %dma_start3A_87 = tpu.memref_squeeze %dma_start3A_86 : memref<1x1x125x80xi32, #tpu.memory_space<hbm>> -> memref<125x80xi32, #tpu.memory_space<hbm>>
      %dma_start3A_88 = arith.constant 0 : i32
      %dma_start3A_89 = arith.constant 0 : i32
      %dma_start3A_90 = tpu.memref_slice %arg3[%run_scoped3A, %add3A, %dma_start3A_88, %dma_start3A_89] : memref<2x32x125x80xi32, #tpu.memory_space<hbm>> -> memref<1x1x125x80xi32, #tpu.memory_space<hbm>>
      %dma_start3A_91 = tpu.memref_squeeze %dma_start3A_90 : memref<1x1x125x80xi32, #tpu.memory_space<hbm>> -> memref<125x80xi32, #tpu.memory_space<hbm>>
      tpu.enqueue_dma source(%dma_start3A_91 : memref<125x80xi32, #tpu.memory_space<hbm>>) target(%arg6 : memref<125x80xi32, #tpu.memory_space<vmem>>) target_semaphore(%run_scoped3A_83 : memref<!tpu.dma_semaphore, #tpu.memory_space<semaphore_mem>>)
      %dma_wait3A_92 = arith.constant 0 : i32
      %dma_wait3A_93 = arith.constant 0 : i32
      %dma_wait3A_94 = tpu.memref_slice %arg3[%run_scoped3A, %add3A, %dma_wait3A_92, %dma_wait3A_93] : memref<2x32x125x80xi32, #tpu.memory_space<hbm>> -> memref<1x1x125x80xi32, #tpu.memory_space<hbm>>
      %dma_wait3A_95 = tpu.memref_squeeze %dma_wait3A_94 : memref<1x1x125x80xi32, #tpu.memory_space<hbm>> -> memref<125x80xi32, #tpu.memory_space<hbm>>
      %dma_wait3A_96 = arith.constant 0 : i32
      %dma_wait3A_97 = arith.constant 0 : i32
      %dma_wait3A_98 = tpu.memref_slice %arg3[%run_scoped3A, %add3A, %dma_wait3A_96, %dma_wait3A_97] : memref<2x32x125x80xi32, #tpu.memory_space<hbm>> -> memref<1x1x125x80xi32, #tpu.memory_space<hbm>>
      %dma_wait3A_99 = tpu.memref_squeeze %dma_wait3A_98 : memref<1x1x125x80xi32, #tpu.memory_space<hbm>> -> memref<125x80xi32, #tpu.memory_space<hbm>>
      tpu.wait_dma2 semaphore(%run_scoped3A_83 : memref<!tpu.dma_semaphore, #tpu.memory_space<semaphore_mem>>) src(%dma_wait3A_99 : memref<125x80xi32, #tpu.memory_space<hbm>>) dst(%arg6 : memref<125x80xi32, #tpu.memory_space<vmem>>)
      tpu.yield
    }) : () -> ()
    %run_scoped3A_3 = arith.constant 1 : i32
    "tpu.region"() ({
      %run_scoped3A_83 = tpu.sem_alloc : memref<!tpu.dma_semaphore, #tpu.memory_space<semaphore_mem>>
      %dma_start3A_84 = arith.constant 0 : i32
      %dma_start3A_85 = arith.constant 0 : i32
      %dma_start3A_86 = tpu.memref_slice %arg3[%run_scoped3A_3, %add3A, %dma_start3A_84, %dma_start3A_85] : memref<2x32x125x80xi32, #tpu.memory_space<hbm>> -> memref<1x1x125x80xi32, #tpu.memory_space<hbm>>
      %dma_start3A_87 = tpu.memref_squeeze %dma_start3A_86 : memref<1x1x125x80xi32, #tpu.memory_space<hbm>> -> memref<125x80xi32, #tpu.memory_space<hbm>>
      %dma_start3A_88 = arith.constant 0 : i32
      %dma_start3A_89 = arith.constant 0 : i32
      %dma_start3A_90 = tpu.memref_slice %arg3[%run_scoped3A_3, %add3A, %dma_start3A_88, %dma_start3A_89] : memref<2x32x125x80xi32, #tpu.memory_space<hbm>> -> memref<1x1x125x80xi32, #tpu.memory_space<hbm>>
      %dma_start3A_91 = tpu.memref_squeeze %dma_start3A_90 : memref<1x1x125x80xi32, #tpu.memory_space<hbm>> -> memref<125x80xi32, #tpu.memory_space<hbm>>
      tpu.enqueue_dma source(%dma_start3A_91 : memref<125x80xi32, #tpu.memory_space<hbm>>) target(%arg7 : memref<125x80xi32, #tpu.memory_space<vmem>>) target_semaphore(%run_scoped3A_83 : memref<!tpu.dma_semaphore, #tpu.memory_space<semaphore_mem>>)
      %dma_wait3A_92 = arith.constant 0 : i32
      %dma_wait3A_93 = arith.constant 0 : i32
      %dma_wait3A_94 = tpu.memref_slice %arg3[%run_scoped3A_3, %add3A, %dma_wait3A_92, %dma_wait3A_93] : memref<2x32x125x80xi32, #tpu.memory_space<hbm>> -> memref<1x1x125x80xi32, #tpu.memory_space<hbm>>
      %dma_wait3A_95 = tpu.memref_squeeze %dma_wait3A_94 : memref<1x1x125x80xi32, #tpu.memory_space<hbm>> -> memref<125x80xi32, #tpu.memory_space<hbm>>
      %dma_wait3A_96 = arith.constant 0 : i32
      %dma_wait3A_97 = arith.constant 0 : i32
      %dma_wait3A_98 = tpu.memref_slice %arg3[%run_scoped3A_3, %add3A, %dma_wait3A_96, %dma_wait3A_97] : memref<2x32x125x80xi32, #tpu.memory_space<hbm>> -> memref<1x1x125x80xi32, #tpu.memory_space<hbm>>
      %dma_wait3A_99 = tpu.memref_squeeze %dma_wait3A_98 : memref<1x1x125x80xi32, #tpu.memory_space<hbm>> -> memref<125x80xi32, #tpu.memory_space<hbm>>
      tpu.wait_dma2 semaphore(%run_scoped3A_83 : memref<!tpu.dma_semaphore, #tpu.memory_space<semaphore_mem>>) src(%dma_wait3A_99 : memref<125x80xi32, #tpu.memory_space<hbm>>) dst(%arg7 : memref<125x80xi32, #tpu.memory_space<vmem>>)
      tpu.yield
    }) : () -> ()
    %add3A_4 = arith.constant 0 : i32
    %add3A_5 = arith.addi %mul3A_2, %add3A_4 : i32
    %dma_start3A = arith.constant 0 : i32
    %dma_start3A_6 = arith.constant 0 : i32
    %dma_start3A_7 = tpu.memref_slice %arg6[%dma_start3A, %dma_start3A_6] : memref<125x80xi32, #tpu.memory_space<vmem>> -> memref<1x80xi32, #tpu.memory_space<vmem>>
    %dma_start3A_8 = tpu.memref_squeeze %dma_start3A_7 : memref<1x80xi32, #tpu.memory_space<vmem>> -> memref<80xi32, #tpu.memory_space<vmem>>
    %dma_start3A_9 = arith.constant 0 : i32
    %dma_start3A_10 = arith.constant 0 : i32
    %dma_start3A_11 = tpu.memref_slice %arg2[%dma_start3A_9, %dma_start3A_10] : memref<10000x128xf32, #tpu.memory_space<hbm>> -> memref<10000x128xf32, #tpu.memory_space<hbm>>
    tpu.enqueue_indirect_dma source(%dma_start3A_11 : memref<10000x128xf32, #tpu.memory_space<hbm>>) target(%arg8 : memref<80x128xf32, #tpu.memory_space<vmem>>) offsets(%dma_start3A_8 : memref<80xi32, #tpu.memory_space<vmem>>) semaphore(%arg14 : memref<!tpu.dma_semaphore, #tpu.memory_space<semaphore_mem>>)
    %dma_start3A_12 = arith.constant 0 : i32
    %dma_start3A_13 = arith.constant 0 : i32
    %dma_start3A_14 = tpu.memref_slice %arg7[%dma_start3A_12, %dma_start3A_13] : memref<125x80xi32, #tpu.memory_space<vmem>> -> memref<1x80xi32, #tpu.memory_space<vmem>>
    %dma_start3A_15 = tpu.memref_squeeze %dma_start3A_14 : memref<1x80xi32, #tpu.memory_space<vmem>> -> memref<80xi32, #tpu.memory_space<vmem>>
    %dma_start3A_16 = arith.constant 0 : i32
    %dma_start3A_17 = arith.constant 0 : i32
    %dma_start3A_18 = tpu.memref_slice %arg2[%dma_start3A_16, %dma_start3A_17] : memref<10000x128xf32, #tpu.memory_space<hbm>> -> memref<10000x128xf32, #tpu.memory_space<hbm>>
    tpu.enqueue_indirect_dma source(%dma_start3A_18 : memref<10000x128xf32, #tpu.memory_space<hbm>>) target(%arg10 : memref<80x128xf32, #tpu.memory_space<vmem>>) offsets(%dma_start3A_15 : memref<80xi32, #tpu.memory_space<vmem>>) semaphore(%arg14 : memref<!tpu.dma_semaphore, #tpu.memory_space<semaphore_mem>>)
    %dma_start3A_19 = arith.constant 0 : i32
    %dma_start3A_20 = tpu.memref_slice %arg4[%add3A_5, %dma_start3A_19] : memref<320000x16xf32, #tpu.memory_space<hbm>> -> memref<80x16xf32, #tpu.memory_space<hbm>>
    %dma_start3A_21 = arith.constant 0 : i32
    %dma_start3A_22 = tpu.memref_slice %arg4[%add3A_5, %dma_start3A_21] : memref<320000x16xf32, #tpu.memory_space<hbm>> -> memref<80x16xf32, #tpu.memory_space<hbm>>
    tpu.enqueue_dma source(%dma_start3A_22 : memref<80x16xf32, #tpu.memory_space<hbm>>) target(%arg12 : memref<80x16xf32, #tpu.memory_space<vmem>>) target_semaphore(%arg14 : memref<!tpu.dma_semaphore, #tpu.memory_space<semaphore_mem>>)
    %scan3A = arith.constant 0 : i32
    %scan3A_23 = arith.constant 0 : i32
    %scan3A_24 = arith.constant 62 : i32
    %scan3A_25 = arith.addi %scan3A_23, %scan3A_24 : i32
    %scan3A_26 = arith.constant 1 : i32
    scf.for %scan3A_83 = %scan3A_23 to %scan3A_25 step %scan3A_26  : i32 {
      %mul3A_84 = arith.constant 2 : i32
      %mul3A_85 = arith.muli %mul3A_84, %scan3A_83 : i32
      %add3A_86 = arith.constant 1 : i32
      %add3A_87 = arith.addi %mul3A_85, %add3A_86 : i32
      %gt3A = arith.constant 0 : i32
      %gt3A_88 = arith.cmpi sgt, %scan3A_83, %gt3A : i32
      %convert_element_type3A = arith.extui %gt3A_88 : i1 to i32
      %cond3A = arith.constant 0 : i32
      %cond3A_89 = arith.cmpi ne, %convert_element_type3A, %cond3A : i32
      scf.if %cond3A_89 {
        %dma_wait3A_208 = arith.constant 0 : i32
        %dma_wait3A_209 = tpu.memref_slice %arg5[%mul3A_2, %dma_wait3A_208] : memref<320000x272xf32, #tpu.memory_space<hbm>> -> memref<80x128xf32, #tpu.memory_space<hbm>>
        %dma_wait3A_210 = arith.constant 0 : i32
        %dma_wait3A_211 = tpu.memref_slice %arg5[%mul3A_2, %dma_wait3A_210] : memref<320000x272xf32, #tpu.memory_space<hbm>> -> memref<80x128xf32, #tpu.memory_space<hbm>>
        tpu.wait_dma2 semaphore(%arg17 : memref<!tpu.dma_semaphore, #tpu.memory_space<semaphore_mem>>) src(%arg9 : memref<80x128xf32, #tpu.memory_space<vmem>>) dst(%dma_wait3A_211 : memref<80x128xf32, #tpu.memory_space<hbm>>)
        %dma_wait3A_212 = arith.constant 128 : i32
        %dma_wait3A_213 = tpu.memref_slice %arg5[%mul3A_2, %dma_wait3A_212] : memref<320000x272xf32, #tpu.memory_space<hbm>> -> memref<80x128xf32, #tpu.memory_space<hbm>>
        %dma_wait3A_214 = arith.constant 128 : i32
        %dma_wait3A_215 = tpu.memref_slice %arg5[%mul3A_2, %dma_wait3A_214] : memref<320000x272xf32, #tpu.memory_space<hbm>> -> memref<80x128xf32, #tpu.memory_space<hbm>>
        tpu.wait_dma2 semaphore(%arg17 : memref<!tpu.dma_semaphore, #tpu.memory_space<semaphore_mem>>) src(%arg11 : memref<80x128xf32, #tpu.memory_space<vmem>>) dst(%dma_wait3A_215 : memref<80x128xf32, #tpu.memory_space<hbm>>)
        %dma_wait3A_216 = arith.constant 256 : i32
        %dma_wait3A_217 = tpu.memref_slice %arg5[%mul3A_2, %dma_wait3A_216] : memref<320000x272xf32, #tpu.memory_space<hbm>> -> memref<80x16xf32, #tpu.memory_space<hbm>>
        %dma_wait3A_218 = arith.constant 256 : i32
        %dma_wait3A_219 = tpu.memref_slice %arg5[%mul3A_2, %dma_wait3A_218] : memref<320000x272xf32, #tpu.memory_space<hbm>> -> memref<80x16xf32, #tpu.memory_space<hbm>>
        tpu.wait_dma2 semaphore(%arg17 : memref<!tpu.dma_semaphore, #tpu.memory_space<semaphore_mem>>) src(%arg13 : memref<80x16xf32, #tpu.memory_space<vmem>>) dst(%dma_wait3A_219 : memref<80x16xf32, #tpu.memory_space<hbm>>)
      } else {
      }
      %mul3A_90 = arith.constant 80 : i32
      %mul3A_91 = arith.muli %add3A_87, %mul3A_90 : i32
      %add3A_92 = arith.addi %mul3A_2, %mul3A_91 : i32
      %dma_start3A_93 = arith.constant 0 : i32
      %dma_start3A_94 = tpu.memref_slice %arg6[%add3A_87, %dma_start3A_93] : memref<125x80xi32, #tpu.memory_space<vmem>> -> memref<1x80xi32, #tpu.memory_space<vmem>>
      %dma_start3A_95 = tpu.memref_squeeze %dma_start3A_94 : memref<1x80xi32, #tpu.memory_space<vmem>> -> memref<80xi32, #tpu.memory_space<vmem>>
      %dma_start3A_96 = arith.constant 0 : i32
      %dma_start3A_97 = arith.constant 0 : i32
      %dma_start3A_98 = tpu.memref_slice %arg2[%dma_start3A_96, %dma_start3A_97] : memref<10000x128xf32, #tpu.memory_space<hbm>> -> memref<10000x128xf32, #tpu.memory_space<hbm>>
      tpu.enqueue_indirect_dma source(%dma_start3A_98 : memref<10000x128xf32, #tpu.memory_space<hbm>>) target(%arg9 : memref<80x128xf32, #tpu.memory_space<vmem>>) offsets(%dma_start3A_95 : memref<80xi32, #tpu.memory_space<vmem>>) semaphore(%arg15 : memref<!tpu.dma_semaphore, #tpu.memory_space<semaphore_mem>>)
      %dma_start3A_99 = arith.constant 0 : i32
      %dma_start3A_100 = tpu.memref_slice %arg7[%add3A_87, %dma_start3A_99] : memref<125x80xi32, #tpu.memory_space<vmem>> -> memref<1x80xi32, #tpu.memory_space<vmem>>
      %dma_start3A_101 = tpu.memref_squeeze %dma_start3A_100 : memref<1x80xi32, #tpu.memory_space<vmem>> -> memref<80xi32, #tpu.memory_space<vmem>>
      %dma_start3A_102 = arith.constant 0 : i32
      %dma_start3A_103 = arith.constant 0 : i32
      %dma_start3A_104 = tpu.memref_slice %arg2[%dma_start3A_102, %dma_start3A_103] : memref<10000x128xf32, #tpu.memory_space<hbm>> -> memref<10000x128xf32, #tpu.memory_space<hbm>>
      tpu.enqueue_indirect_dma source(%dma_start3A_104 : memref<10000x128xf32, #tpu.memory_space<hbm>>) target(%arg11 : memref<80x128xf32, #tpu.memory_space<vmem>>) offsets(%dma_start3A_101 : memref<80xi32, #tpu.memory_space<vmem>>) semaphore(%arg15 : memref<!tpu.dma_semaphore, #tpu.memory_space<semaphore_mem>>)
      %dma_start3A_105 = arith.constant 0 : i32
      %dma_start3A_106 = tpu.memref_slice %arg4[%add3A_92, %dma_start3A_105] : memref<320000x16xf32, #tpu.memory_space<hbm>> -> memref<80x16xf32, #tpu.memory_space<hbm>>
      %dma_start3A_107 = arith.constant 0 : i32
      %dma_start3A_108 = tpu.memref_slice %arg4[%add3A_92, %dma_start3A_107] : memref<320000x16xf32, #tpu.memory_space<hbm>> -> memref<80x16xf32, #tpu.memory_space<hbm>>
      tpu.enqueue_dma source(%dma_start3A_108 : memref<80x16xf32, #tpu.memory_space<hbm>>) target(%arg13 : memref<80x16xf32, #tpu.memory_space<vmem>>) target_semaphore(%arg15 : memref<!tpu.dma_semaphore, #tpu.memory_space<semaphore_mem>>)
      %dma_wait3A_109 = arith.constant 0 : i32
      %dma_wait3A_110 = arith.constant 0 : i32
      %dma_wait3A_111 = tpu.memref_slice %arg6[%dma_wait3A_109, %dma_wait3A_110] : memref<125x80xi32, #tpu.memory_space<vmem>> -> memref<1x80xi32, #tpu.memory_space<vmem>>
      %dma_wait3A_112 = tpu.memref_squeeze %dma_wait3A_111 : memref<1x80xi32, #tpu.memory_space<vmem>> -> memref<80xi32, #tpu.memory_space<vmem>>
      %dma_wait3A_113 = arith.constant 0 : i32
      %dma_wait3A_114 = arith.constant 0 : i32
      %dma_wait3A_115 = tpu.memref_slice %arg2[%dma_wait3A_113, %dma_wait3A_114] : memref<10000x128xf32, #tpu.memory_space<hbm>> -> memref<10000x128xf32, #tpu.memory_space<hbm>>
      tpu.wait_indirect_dma semaphore(%arg14 : memref<!tpu.dma_semaphore, #tpu.memory_space<semaphore_mem>>) src(%dma_wait3A_115 : memref<10000x128xf32, #tpu.memory_space<hbm>>) dst(%arg8 : memref<80x128xf32, #tpu.memory_space<vmem>>)
      %dma_wait3A_116 = arith.constant 0 : i32
      %dma_wait3A_117 = arith.constant 0 : i32
      %dma_wait3A_118 = tpu.memref_slice %arg7[%dma_wait3A_116, %dma_wait3A_117] : memref<125x80xi32, #tpu.memory_space<vmem>> -> memref<1x80xi32, #tpu.memory_space<vmem>>
      %dma_wait3A_119 = tpu.memref_squeeze %dma_wait3A_118 : memref<1x80xi32, #tpu.memory_space<vmem>> -> memref<80xi32, #tpu.memory_space<vmem>>
      %dma_wait3A_120 = arith.constant 0 : i32
      %dma_wait3A_121 = arith.constant 0 : i32
      %dma_wait3A_122 = tpu.memref_slice %arg2[%dma_wait3A_120, %dma_wait3A_121] : memref<10000x128xf32, #tpu.memory_space<hbm>> -> memref<10000x128xf32, #tpu.memory_space<hbm>>
      tpu.wait_indirect_dma semaphore(%arg14 : memref<!tpu.dma_semaphore, #tpu.memory_space<semaphore_mem>>) src(%dma_wait3A_122 : memref<10000x128xf32, #tpu.memory_space<hbm>>) dst(%arg10 : memref<80x128xf32, #tpu.memory_space<vmem>>)
      %dma_wait3A_123 = arith.constant 0 : i32
      %dma_wait3A_124 = tpu.memref_slice %arg4[%mul3A_2, %dma_wait3A_123] : memref<320000x16xf32, #tpu.memory_space<hbm>> -> memref<80x16xf32, #tpu.memory_space<hbm>>
      %dma_wait3A_125 = arith.constant 0 : i32
      %dma_wait3A_126 = tpu.memref_slice %arg4[%mul3A_2, %dma_wait3A_125] : memref<320000x16xf32, #tpu.memory_space<hbm>> -> memref<80x16xf32, #tpu.memory_space<hbm>>
      tpu.wait_dma2 semaphore(%arg14 : memref<!tpu.dma_semaphore, #tpu.memory_space<semaphore_mem>>) src(%dma_wait3A_126 : memref<80x16xf32, #tpu.memory_space<hbm>>) dst(%arg12 : memref<80x16xf32, #tpu.memory_space<vmem>>)
      %mul3A_127 = arith.constant 80 : i32
      %mul3A_128 = arith.muli %mul3A_85, %mul3A_127 : i32
      %add3A_129 = arith.addi %mul3A_2, %mul3A_128 : i32
      %dma_start3A_130 = arith.constant 0 : i32
      %dma_start3A_131 = tpu.memref_slice %arg5[%add3A_129, %dma_start3A_130] : memref<320000x272xf32, #tpu.memory_space<hbm>> -> memref<80x128xf32, #tpu.memory_space<hbm>>
      %dma_start3A_132 = arith.constant 0 : i32
      %dma_start3A_133 = tpu.memref_slice %arg5[%add3A_129, %dma_start3A_132] : memref<320000x272xf32, #tpu.memory_space<hbm>> -> memref<80x128xf32, #tpu.memory_space<hbm>>
      tpu.enqueue_dma source(%arg8 : memref<80x128xf32, #tpu.memory_space<vmem>>) target(%dma_start3A_133 : memref<80x128xf32, #tpu.memory_space<hbm>>) target_semaphore(%arg16 : memref<!tpu.dma_semaphore, #tpu.memory_space<semaphore_mem>>)
      %dma_start3A_134 = arith.constant 128 : i32
      %dma_start3A_135 = tpu.memref_slice %arg5[%add3A_129, %dma_start3A_134] : memref<320000x272xf32, #tpu.memory_space<hbm>> -> memref<80x128xf32, #tpu.memory_space<hbm>>
      %dma_start3A_136 = arith.constant 128 : i32
      %dma_start3A_137 = tpu.memref_slice %arg5[%add3A_129, %dma_start3A_136] : memref<320000x272xf32, #tpu.memory_space<hbm>> -> memref<80x128xf32, #tpu.memory_space<hbm>>
      tpu.enqueue_dma source(%arg10 : memref<80x128xf32, #tpu.memory_space<vmem>>) target(%dma_start3A_137 : memref<80x128xf32, #tpu.memory_space<hbm>>) target_semaphore(%arg16 : memref<!tpu.dma_semaphore, #tpu.memory_space<semaphore_mem>>)
      %dma_start3A_138 = arith.constant 256 : i32
      %dma_start3A_139 = tpu.memref_slice %arg5[%add3A_129, %dma_start3A_138] : memref<320000x272xf32, #tpu.memory_space<hbm>> -> memref<80x16xf32, #tpu.memory_space<hbm>>
      %dma_start3A_140 = arith.constant 256 : i32
      %dma_start3A_141 = tpu.memref_slice %arg5[%add3A_129, %dma_start3A_140] : memref<320000x272xf32, #tpu.memory_space<hbm>> -> memref<80x16xf32, #tpu.memory_space<hbm>>
      tpu.enqueue_dma source(%arg12 : memref<80x16xf32, #tpu.memory_space<vmem>>) target(%dma_start3A_141 : memref<80x16xf32, #tpu.memory_space<hbm>>) target_semaphore(%arg16 : memref<!tpu.dma_semaphore, #tpu.memory_space<semaphore_mem>>)
      %dma_wait3A_142 = arith.constant 0 : i32
      %dma_wait3A_143 = tpu.memref_slice %arg5[%mul3A_2, %dma_wait3A_142] : memref<320000x272xf32, #tpu.memory_space<hbm>> -> memref<80x128xf32, #tpu.memory_space<hbm>>
      %dma_wait3A_144 = arith.constant 0 : i32
      %dma_wait3A_145 = tpu.memref_slice %arg5[%mul3A_2, %dma_wait3A_144] : memref<320000x272xf32, #tpu.memory_space<hbm>> -> memref<80x128xf32, #tpu.memory_space<hbm>>
      tpu.wait_dma2 semaphore(%arg16 : memref<!tpu.dma_semaphore, #tpu.memory_space<semaphore_mem>>) src(%arg8 : memref<80x128xf32, #tpu.memory_space<vmem>>) dst(%dma_wait3A_145 : memref<80x128xf32, #tpu.memory_space<hbm>>)
      %dma_wait3A_146 = arith.constant 128 : i32
      %dma_wait3A_147 = tpu.memref_slice %arg5[%mul3A_2, %dma_wait3A_146] : memref<320000x272xf32, #tpu.memory_space<hbm>> -> memref<80x128xf32, #tpu.memory_space<hbm>>
      %dma_wait3A_148 = arith.constant 128 : i32
      %dma_wait3A_149 = tpu.memref_slice %arg5[%mul3A_2, %dma_wait3A_148] : memref<320000x272xf32, #tpu.memory_space<hbm>> -> memref<80x128xf32, #tpu.memory_space<hbm>>
      tpu.wait_dma2 semaphore(%arg16 : memref<!tpu.dma_semaphore, #tpu.memory_space<semaphore_mem>>) src(%arg10 : memref<80x128xf32, #tpu.memory_space<vmem>>) dst(%dma_wait3A_149 : memref<80x128xf32, #tpu.memory_space<hbm>>)
      %dma_wait3A_150 = arith.constant 256 : i32
      %dma_wait3A_151 = tpu.memref_slice %arg5[%mul3A_2, %dma_wait3A_150] : memref<320000x272xf32, #tpu.memory_space<hbm>> -> memref<80x16xf32, #tpu.memory_space<hbm>>
      %dma_wait3A_152 = arith.constant 256 : i32
      %dma_wait3A_153 = tpu.memref_slice %arg5[%mul3A_2, %dma_wait3A_152] : memref<320000x272xf32, #tpu.memory_space<hbm>> -> memref<80x16xf32, #tpu.memory_space<hbm>>
      tpu.wait_dma2 semaphore(%arg16 : memref<!tpu.dma_semaphore, #tpu.memory_space<semaphore_mem>>) src(%arg12 : memref<80x16xf32, #tpu.memory_space<vmem>>) dst(%dma_wait3A_153 : memref<80x16xf32, #tpu.memory_space<hbm>>)
      %add3A_154 = arith.constant 2 : i32
      %add3A_155 = arith.addi %mul3A_85, %add3A_154 : i32
      %mul3A_156 = arith.constant 80 : i32
      %mul3A_157 = arith.muli %add3A_155, %mul3A_156 : i32
      %add3A_158 = arith.addi %mul3A_2, %mul3A_157 : i32
      %dma_start3A_159 = arith.constant 0 : i32
      %dma_start3A_160 = tpu.memref_slice %arg6[%add3A_155, %dma_start3A_159] : memref<125x80xi32, #tpu.memory_space<vmem>> -> memref<1x80xi32, #tpu.memory_space<vmem>>
      %dma_start3A_161 = tpu.memref_squeeze %dma_start3A_160 : memref<1x80xi32, #tpu.memory_space<vmem>> -> memref<80xi32, #tpu.memory_space<vmem>>
      %dma_start3A_162 = arith.constant 0 : i32
      %dma_start3A_163 = arith.constant 0 : i32
      %dma_start3A_164 = tpu.memref_slice %arg2[%dma_start3A_162, %dma_start3A_163] : memref<10000x128xf32, #tpu.memory_space<hbm>> -> memref<10000x128xf32, #tpu.memory_space<hbm>>
      tpu.enqueue_indirect_dma source(%dma_start3A_164 : memref<10000x128xf32, #tpu.memory_space<hbm>>) target(%arg8 : memref<80x128xf32, #tpu.memory_space<vmem>>) offsets(%dma_start3A_161 : memref<80xi32, #tpu.memory_space<vmem>>) semaphore(%arg14 : memref<!tpu.dma_semaphore, #tpu.memory_space<semaphore_mem>>)
      %dma_start3A_165 = arith.constant 0 : i32
      %dma_start3A_166 = tpu.memref_slice %arg7[%add3A_155, %dma_start3A_165] : memref<125x80xi32, #tpu.memory_space<vmem>> -> memref<1x80xi32, #tpu.memory_space<vmem>>
      %dma_start3A_167 = tpu.memref_squeeze %dma_start3A_166 : memref<1x80xi32, #tpu.memory_space<vmem>> -> memref<80xi32, #tpu.memory_space<vmem>>
      %dma_start3A_168 = arith.constant 0 : i32
      %dma_start3A_169 = arith.constant 0 : i32
      %dma_start3A_170 = tpu.memref_slice %arg2[%dma_start3A_168, %dma_start3A_169] : memref<10000x128xf32, #tpu.memory_space<hbm>> -> memref<10000x128xf32, #tpu.memory_space<hbm>>
      tpu.enqueue_indirect_dma source(%dma_start3A_170 : memref<10000x128xf32, #tpu.memory_space<hbm>>) target(%arg10 : memref<80x128xf32, #tpu.memory_space<vmem>>) offsets(%dma_start3A_167 : memref<80xi32, #tpu.memory_space<vmem>>) semaphore(%arg14 : memref<!tpu.dma_semaphore, #tpu.memory_space<semaphore_mem>>)
      %dma_start3A_171 = arith.constant 0 : i32
      %dma_start3A_172 = tpu.memref_slice %arg4[%add3A_158, %dma_start3A_171] : memref<320000x16xf32, #tpu.memory_space<hbm>> -> memref<80x16xf32, #tpu.memory_space<hbm>>
      %dma_start3A_173 = arith.constant 0 : i32
      %dma_start3A_174 = tpu.memref_slice %arg4[%add3A_158, %dma_start3A_173] : memref<320000x16xf32, #tpu.memory_space<hbm>> -> memref<80x16xf32, #tpu.memory_space<hbm>>
      tpu.enqueue_dma source(%dma_start3A_174 : memref<80x16xf32, #tpu.memory_space<hbm>>) target(%arg12 : memref<80x16xf32, #tpu.memory_space<vmem>>) target_semaphore(%arg14 : memref<!tpu.dma_semaphore, #tpu.memory_space<semaphore_mem>>)
      %dma_wait3A_175 = arith.constant 0 : i32
      %dma_wait3A_176 = arith.constant 0 : i32
      %dma_wait3A_177 = tpu.memref_slice %arg6[%dma_wait3A_175, %dma_wait3A_176] : memref<125x80xi32, #tpu.memory_space<vmem>> -> memref<1x80xi32, #tpu.memory_space<vmem>>
      %dma_wait3A_178 = tpu.memref_squeeze %dma_wait3A_177 : memref<1x80xi32, #tpu.memory_space<vmem>> -> memref<80xi32, #tpu.memory_space<vmem>>
      %dma_wait3A_179 = arith.constant 0 : i32
      %dma_wait3A_180 = arith.constant 0 : i32
      %dma_wait3A_181 = tpu.memref_slice %arg2[%dma_wait3A_179, %dma_wait3A_180] : memref<10000x128xf32, #tpu.memory_space<hbm>> -> memref<10000x128xf32, #tpu.memory_space<hbm>>
      tpu.wait_indirect_dma semaphore(%arg15 : memref<!tpu.dma_semaphore, #tpu.memory_space<semaphore_mem>>) src(%dma_wait3A_181 : memref<10000x128xf32, #tpu.memory_space<hbm>>) dst(%arg9 : memref<80x128xf32, #tpu.memory_space<vmem>>)
      %dma_wait3A_182 = arith.constant 0 : i32
      %dma_wait3A_183 = arith.constant 0 : i32
      %dma_wait3A_184 = tpu.memref_slice %arg7[%dma_wait3A_182, %dma_wait3A_183] : memref<125x80xi32, #tpu.memory_space<vmem>> -> memref<1x80xi32, #tpu.memory_space<vmem>>
      %dma_wait3A_185 = tpu.memref_squeeze %dma_wait3A_184 : memref<1x80xi32, #tpu.memory_space<vmem>> -> memref<80xi32, #tpu.memory_space<vmem>>
      %dma_wait3A_186 = arith.constant 0 : i32
      %dma_wait3A_187 = arith.constant 0 : i32
      %dma_wait3A_188 = tpu.memref_slice %arg2[%dma_wait3A_186, %dma_wait3A_187] : memref<10000x128xf32, #tpu.memory_space<hbm>> -> memref<10000x128xf32, #tpu.memory_space<hbm>>
      tpu.wait_indirect_dma semaphore(%arg15 : memref<!tpu.dma_semaphore, #tpu.memory_space<semaphore_mem>>) src(%dma_wait3A_188 : memref<10000x128xf32, #tpu.memory_space<hbm>>) dst(%arg11 : memref<80x128xf32, #tpu.memory_space<vmem>>)
      %dma_wait3A_189 = arith.constant 0 : i32
      %dma_wait3A_190 = tpu.memref_slice %arg4[%mul3A_2, %dma_wait3A_189] : memref<320000x16xf32, #tpu.memory_space<hbm>> -> memref<80x16xf32, #tpu.memory_space<hbm>>
      %dma_wait3A_191 = arith.constant 0 : i32
      %dma_wait3A_192 = tpu.memref_slice %arg4[%mul3A_2, %dma_wait3A_191] : memref<320000x16xf32, #tpu.memory_space<hbm>> -> memref<80x16xf32, #tpu.memory_space<hbm>>
      tpu.wait_dma2 semaphore(%arg15 : memref<!tpu.dma_semaphore, #tpu.memory_space<semaphore_mem>>) src(%dma_wait3A_192 : memref<80x16xf32, #tpu.memory_space<hbm>>) dst(%arg13 : memref<80x16xf32, #tpu.memory_space<vmem>>)
      %mul3A_193 = arith.constant 80 : i32
      %mul3A_194 = arith.muli %add3A_87, %mul3A_193 : i32
      %add3A_195 = arith.addi %mul3A_2, %mul3A_194 : i32
      %dma_start3A_196 = arith.constant 0 : i32
      %dma_start3A_197 = tpu.memref_slice %arg5[%add3A_195, %dma_start3A_196] : memref<320000x272xf32, #tpu.memory_space<hbm>> -> memref<80x128xf32, #tpu.memory_space<hbm>>
      %dma_start3A_198 = arith.constant 0 : i32
      %dma_start3A_199 = tpu.memref_slice %arg5[%add3A_195, %dma_start3A_198] : memref<320000x272xf32, #tpu.memory_space<hbm>> -> memref<80x128xf32, #tpu.memory_space<hbm>>
      tpu.enqueue_dma source(%arg9 : memref<80x128xf32, #tpu.memory_space<vmem>>) target(%dma_start3A_199 : memref<80x128xf32, #tpu.memory_space<hbm>>) target_semaphore(%arg17 : memref<!tpu.dma_semaphore, #tpu.memory_space<semaphore_mem>>)
      %dma_start3A_200 = arith.constant 128 : i32
      %dma_start3A_201 = tpu.memref_slice %arg5[%add3A_195, %dma_start3A_200] : memref<320000x272xf32, #tpu.memory_space<hbm>> -> memref<80x128xf32, #tpu.memory_space<hbm>>
      %dma_start3A_202 = arith.constant 128 : i32
      %dma_start3A_203 = tpu.memref_slice %arg5[%add3A_195, %dma_start3A_202] : memref<320000x272xf32, #tpu.memory_space<hbm>> -> memref<80x128xf32, #tpu.memory_space<hbm>>
      tpu.enqueue_dma source(%arg11 : memref<80x128xf32, #tpu.memory_space<vmem>>) target(%dma_start3A_203 : memref<80x128xf32, #tpu.memory_space<hbm>>) target_semaphore(%arg17 : memref<!tpu.dma_semaphore, #tpu.memory_space<semaphore_mem>>)
      %dma_start3A_204 = arith.constant 256 : i32
      %dma_start3A_205 = tpu.memref_slice %arg5[%add3A_195, %dma_start3A_204] : memref<320000x272xf32, #tpu.memory_space<hbm>> -> memref<80x16xf32, #tpu.memory_space<hbm>>
      %dma_start3A_206 = arith.constant 256 : i32
      %dma_start3A_207 = tpu.memref_slice %arg5[%add3A_195, %dma_start3A_206] : memref<320000x272xf32, #tpu.memory_space<hbm>> -> memref<80x16xf32, #tpu.memory_space<hbm>>
      tpu.enqueue_dma source(%arg13 : memref<80x16xf32, #tpu.memory_space<vmem>>) target(%dma_start3A_207 : memref<80x16xf32, #tpu.memory_space<hbm>>) target_semaphore(%arg17 : memref<!tpu.dma_semaphore, #tpu.memory_space<semaphore_mem>>)
    }
    %scan3A_27 = arith.constant 62 : i32
    %dma_wait3A = arith.constant 0 : i32
    %dma_wait3A_28 = tpu.memref_slice %arg5[%mul3A_2, %dma_wait3A] : memref<320000x272xf32, #tpu.memory_space<hbm>> -> memref<80x128xf32, #tpu.memory_space<hbm>>
    %dma_wait3A_29 = arith.constant 0 : i32
    %dma_wait3A_30 = tpu.memref_slice %arg5[%mul3A_2, %dma_wait3A_29] : memref<320000x272xf32, #tpu.memory_space<hbm>> -> memref<80x128xf32, #tpu.memory_space<hbm>>
    tpu.wait_dma2 semaphore(%arg17 : memref<!tpu.dma_semaphore, #tpu.memory_space<semaphore_mem>>) src(%arg9 : memref<80x128xf32, #tpu.memory_space<vmem>>) dst(%dma_wait3A_30 : memref<80x128xf32, #tpu.memory_space<hbm>>)
    %dma_wait3A_31 = arith.constant 128 : i32
    %dma_wait3A_32 = tpu.memref_slice %arg5[%mul3A_2, %dma_wait3A_31] : memref<320000x272xf32, #tpu.memory_space<hbm>> -> memref<80x128xf32, #tpu.memory_space<hbm>>
    %dma_wait3A_33 = arith.constant 128 : i32
    %dma_wait3A_34 = tpu.memref_slice %arg5[%mul3A_2, %dma_wait3A_33] : memref<320000x272xf32, #tpu.memory_space<hbm>> -> memref<80x128xf32, #tpu.memory_space<hbm>>
    tpu.wait_dma2 semaphore(%arg17 : memref<!tpu.dma_semaphore, #tpu.memory_space<semaphore_mem>>) src(%arg11 : memref<80x128xf32, #tpu.memory_space<vmem>>) dst(%dma_wait3A_34 : memref<80x128xf32, #tpu.memory_space<hbm>>)
    %dma_wait3A_35 = arith.constant 256 : i32
    %dma_wait3A_36 = tpu.memref_slice %arg5[%mul3A_2, %dma_wait3A_35] : memref<320000x272xf32, #tpu.memory_space<hbm>> -> memref<80x16xf32, #tpu.memory_space<hbm>>
    %dma_wait3A_37 = arith.constant 256 : i32
    %dma_wait3A_38 = tpu.memref_slice %arg5[%mul3A_2, %dma_wait3A_37] : memref<320000x272xf32, #tpu.memory_space<hbm>> -> memref<80x16xf32, #tpu.memory_space<hbm>>
    tpu.wait_dma2 semaphore(%arg17 : memref<!tpu.dma_semaphore, #tpu.memory_space<semaphore_mem>>) src(%arg13 : memref<80x16xf32, #tpu.memory_space<vmem>>) dst(%dma_wait3A_38 : memref<80x16xf32, #tpu.memory_space<hbm>>)
    %dma_wait3A_39 = arith.constant 0 : i32
    %dma_wait3A_40 = arith.constant 0 : i32
    %dma_wait3A_41 = tpu.memref_slice %arg6[%dma_wait3A_39, %dma_wait3A_40] : memref<125x80xi32, #tpu.memory_space<vmem>> -> memref<1x80xi32, #tpu.memory_space<vmem>>
    %dma_wait3A_42 = tpu.memref_squeeze %dma_wait3A_41 : memref<1x80xi32, #tpu.memory_space<vmem>> -> memref<80xi32, #tpu.memory_space<vmem>>
    %dma_wait3A_43 = arith.constant 0 : i32
    %dma_wait3A_44 = arith.constant 0 : i32
    %dma_wait3A_45 = tpu.memref_slice %arg2[%dma_wait3A_43, %dma_wait3A_44] : memref<10000x128xf32, #tpu.memory_space<hbm>> -> memref<10000x128xf32, #tpu.memory_space<hbm>>
    tpu.wait_indirect_dma semaphore(%arg14 : memref<!tpu.dma_semaphore, #tpu.memory_space<semaphore_mem>>) src(%dma_wait3A_45 : memref<10000x128xf32, #tpu.memory_space<hbm>>) dst(%arg8 : memref<80x128xf32, #tpu.memory_space<vmem>>)
    %dma_wait3A_46 = arith.constant 0 : i32
    %dma_wait3A_47 = arith.constant 0 : i32
    %dma_wait3A_48 = tpu.memref_slice %arg7[%dma_wait3A_46, %dma_wait3A_47] : memref<125x80xi32, #tpu.memory_space<vmem>> -> memref<1x80xi32, #tpu.memory_space<vmem>>
    %dma_wait3A_49 = tpu.memref_squeeze %dma_wait3A_48 : memref<1x80xi32, #tpu.memory_space<vmem>> -> memref<80xi32, #tpu.memory_space<vmem>>
    %dma_wait3A_50 = arith.constant 0 : i32
    %dma_wait3A_51 = arith.constant 0 : i32
    %dma_wait3A_52 = tpu.memref_slice %arg2[%dma_wait3A_50, %dma_wait3A_51] : memref<10000x128xf32, #tpu.memory_space<hbm>> -> memref<10000x128xf32, #tpu.memory_space<hbm>>
    tpu.wait_indirect_dma semaphore(%arg14 : memref<!tpu.dma_semaphore, #tpu.memory_space<semaphore_mem>>) src(%dma_wait3A_52 : memref<10000x128xf32, #tpu.memory_space<hbm>>) dst(%arg10 : memref<80x128xf32, #tpu.memory_space<vmem>>)
    %dma_wait3A_53 = arith.constant 0 : i32
    %dma_wait3A_54 = tpu.memref_slice %arg4[%mul3A_2, %dma_wait3A_53] : memref<320000x16xf32, #tpu.memory_space<hbm>> -> memref<80x16xf32, #tpu.memory_space<hbm>>
    %dma_wait3A_55 = arith.constant 0 : i32
    %dma_wait3A_56 = tpu.memref_slice %arg4[%mul3A_2, %dma_wait3A_55] : memref<320000x16xf32, #tpu.memory_space<hbm>> -> memref<80x16xf32, #tpu.memory_space<hbm>>
    tpu.wait_dma2 semaphore(%arg14 : memref<!tpu.dma_semaphore, #tpu.memory_space<semaphore_mem>>) src(%dma_wait3A_56 : memref<80x16xf32, #tpu.memory_space<hbm>>) dst(%arg12 : memref<80x16xf32, #tpu.memory_space<vmem>>)
    %add3A_57 = arith.constant 9920 : i32
    %add3A_58 = arith.addi %mul3A_2, %add3A_57 : i32
    %dma_start3A_59 = arith.constant 0 : i32
    %dma_start3A_60 = tpu.memref_slice %arg5[%add3A_58, %dma_start3A_59] : memref<320000x272xf32, #tpu.memory_space<hbm>> -> memref<80x128xf32, #tpu.memory_space<hbm>>
    %dma_start3A_61 = arith.constant 0 : i32
    %dma_start3A_62 = tpu.memref_slice %arg5[%add3A_58, %dma_start3A_61] : memref<320000x272xf32, #tpu.memory_space<hbm>> -> memref<80x128xf32, #tpu.memory_space<hbm>>
    tpu.enqueue_dma source(%arg8 : memref<80x128xf32, #tpu.memory_space<vmem>>) target(%dma_start3A_62 : memref<80x128xf32, #tpu.memory_space<hbm>>) target_semaphore(%arg16 : memref<!tpu.dma_semaphore, #tpu.memory_space<semaphore_mem>>)
    %dma_start3A_63 = arith.constant 128 : i32
    %dma_start3A_64 = tpu.memref_slice %arg5[%add3A_58, %dma_start3A_63] : memref<320000x272xf32, #tpu.memory_space<hbm>> -> memref<80x128xf32, #tpu.memory_space<hbm>>
    %dma_start3A_65 = arith.constant 128 : i32
    %dma_start3A_66 = tpu.memref_slice %arg5[%add3A_58, %dma_start3A_65] : memref<320000x272xf32, #tpu.memory_space<hbm>> -> memref<80x128xf32, #tpu.memory_space<hbm>>
    tpu.enqueue_dma source(%arg10 : memref<80x128xf32, #tpu.memory_space<vmem>>) target(%dma_start3A_66 : memref<80x128xf32, #tpu.memory_space<hbm>>) target_semaphore(%arg16 : memref<!tpu.dma_semaphore, #tpu.memory_space<semaphore_mem>>)
    %dma_start3A_67 = arith.constant 256 : i32
    %dma_start3A_68 = tpu.memref_slice %arg5[%add3A_58, %dma_start3A_67] : memref<320000x272xf32, #tpu.memory_space<hbm>> -> memref<80x16xf32, #tpu.memory_space<hbm>>
    %dma_start3A_69 = arith.constant 256 : i32
    %dma_start3A_70 = tpu.memref_slice %arg5[%add3A_58, %dma_start3A_69] : memref<320000x272xf32, #tpu.memory_space<hbm>> -> memref<80x16xf32, #tpu.memory_space<hbm>>
    tpu.enqueue_dma source(%arg12 : memref<80x16xf32, #tpu.memory_space<vmem>>) target(%dma_start3A_70 : memref<80x16xf32, #tpu.memory_space<hbm>>) target_semaphore(%arg16 : memref<!tpu.dma_semaphore, #tpu.memory_space<semaphore_mem>>)
    %dma_wait3A_71 = arith.constant 0 : i32
    %dma_wait3A_72 = tpu.memref_slice %arg5[%mul3A_2, %dma_wait3A_71] : memref<320000x272xf32, #tpu.memory_space<hbm>> -> memref<80x128xf32, #tpu.memory_space<hbm>>
    %dma_wait3A_73 = arith.constant 0 : i32
    %dma_wait3A_74 = tpu.memref_slice %arg5[%mul3A_2, %dma_wait3A_73] : memref<320000x272xf32, #tpu.memory_space<hbm>> -> memref<80x128xf32, #tpu.memory_space<hbm>>
    tpu.wait_dma2 semaphore(%arg16 : memref<!tpu.dma_semaphore, #tpu.memory_space<semaphore_mem>>) src(%arg8 : memref<80x128xf32, #tpu.memory_space<vmem>>) dst(%dma_wait3A_74 : memref<80x128xf32, #tpu.memory_space<hbm>>)
    %dma_wait3A_75 = arith.constant 128 : i32
    %dma_wait3A_76 = tpu.memref_slice %arg5[%mul3A_2, %dma_wait3A_75] : memref<320000x272xf32, #tpu.memory_space<hbm>> -> memref<80x128xf32, #tpu.memory_space<hbm>>
    %dma_wait3A_77 = arith.constant 128 : i32
    %dma_wait3A_78 = tpu.memref_slice %arg5[%mul3A_2, %dma_wait3A_77] : memref<320000x272xf32, #tpu.memory_space<hbm>> -> memref<80x128xf32, #tpu.memory_space<hbm>>
    tpu.wait_dma2 semaphore(%arg16 : memref<!tpu.dma_semaphore, #tpu.memory_space<semaphore_mem>>) src(%arg10 : memref<80x128xf32, #tpu.memory_space<vmem>>) dst(%dma_wait3A_78 : memref<80x128xf32, #tpu.memory_space<hbm>>)
    %dma_wait3A_79 = arith.constant 256 : i32
    %dma_wait3A_80 = tpu.memref_slice %arg5[%mul3A_2, %dma_wait3A_79] : memref<320000x272xf32, #tpu.memory_space<hbm>> -> memref<80x16xf32, #tpu.memory_space<hbm>>
    %dma_wait3A_81 = arith.constant 256 : i32
    %dma_wait3A_82 = tpu.memref_slice %arg5[%mul3A_2, %dma_wait3A_81] : memref<320000x272xf32, #tpu.memory_space<hbm>> -> memref<80x16xf32, #tpu.memory_space<hbm>>
    tpu.wait_dma2 semaphore(%arg16 : memref<!tpu.dma_semaphore, #tpu.memory_space<semaphore_mem>>) src(%arg12 : memref<80x16xf32, #tpu.memory_space<vmem>>) dst(%dma_wait3A_82 : memref<80x16xf32, #tpu.memory_space<hbm>>)
    return
  }
}

</mosaic_0001>

<sc_bundles>
// kernel: kernel.3.cloned.1.call-start
scs
__scs_entry_jumppad:
0x0: {  	(pc) =	sbr.rel $0x88, $3  }
0x1: {  	(tag) =	ssettag $0x0;
	lr =	simm.s32 $0x1  }
0x2: {  	[smem:$0x3F9E] =	sst lr;
	_ =	strace $0xD0000000  }
0x3: {  	_ = 	snop  }
0x4: {  	_ = 	snop  }
0x5: {  	_ = 	snop  }
0x6: {  	_ = 	snop  }
0x7: {  	_ = 	snop  }
__scs_overlays_trampoline_lowered:
0x8: {  	[smem:$0x3FAD] =	sst s0  }
0x9: {  	[smem:$0x3FAE] =	sst s1  }
0xa: {  	[smem:$0x3FAF] =	sst s2  }
0xb: {  	[smem:$0x3FB0] =	sst s3  }
0xc: {  	[smem:$0x3FB1] =	sst s4  }
0xd: {  	[smem:$0x3FB2] =	sst s5  }
0xe: {  	[smem:$0x3FB3] =	sst s6  }
0xf: {  	[smem:$0x3FB4] =	sst s7  }
0x10: {  	[smem:$0x3FB5] =	sst s8  }
0x11: {  	[smem:$0x3FB6] =	sst s9;
	s0 =	simm.s32 @!p0 $0x0  }
0x12: {  	s1 =	sld [smem:$0x3F9C];
	s0 =	simm.s32 @p0 $0x1  }
0x13: {  	[smem:$0x3FB7] =	sst s0;
	s0 =	simm.s32 @!p1 $0x0  }
0x14: {  	s2 =	sld [smem:$0x3F9B];
	s0 =	simm.s32 @p1 $0x1  }
0x15: {  	[smem:$0x3FB8] =	sst s0;
	s0 =	simm.s32 @!p2 $0x0  }
0x16: {  	s3 =	sld [smem:$0x3FDB];
	s0 =	simm.s32 @p2 $0x1  }
0x17: {  	s4 =	simm.s32 $0x1BF5;
	[smem:$0x3FBA] =	sst s0  }
0x18: {  	s0 =	sld [smem:$0x3F9D];
	_ =	swait.ge [sflag:s4], $0x0  }
0x19: {  	s7 =	sld [smem:$0x3F9E]  }
0x1a: {  	s8 =	sadd.s32 $0xFFFFE003, lr  }
0x1b: {  	s9 =	sadd.s32 $0xFFFFFEF7, lr;
	s5 =	simm.s32 $0xFFFFFFFF;
	p2 =	slt.u32 s8, $0xFFFFF086  }
0x1c: {  	p1 =	slt.u32 s9, $0xF7A;
	s5 =	simm.s32 @!p2 $0x0  }
0x1d: {  	s5 =	simm.s32 @p1 $0x1;
	p0 =	seq.s32 s7, s2  }
0x1e: {  	s7 =	smul.u32 @!p0 $0xF7A, s2;
	p2 =	seq.s32 @!p0 s5, $0x0  }
0x1f: {  	s9 =	smul.u32 $0xF7A, s1;
	s8 =	simm.s32 @!p0 $0x1BF5;
	p2 =	por !p2, p0  }
0x20: {  	[sflag:s8] =	ssyncset.s32 @!p0 $0xFFFFF086;
	s6 =	sadd.s32 @!p0 s3, s7;
	s7 =	simm.s32 @!p0 $0x108  }
0x21: {  	s3 =	sadd.s32 s3, s9;
	s6 =	sadd.s32 @!p0 $0x88, s6;
	s7 =	simm.s32 @p2 $0x1082  }
0x22: {  	[simem:s7], [sflag:s8] =	dma.local @!p0 [hbm:s6], $0xF7A  }
0x23: {  	s9 =	sor.u32 $0xD0000000, s2;
	s6 =	simm.s32 $0x108;
	_ =	swait.ge @!p0 [sflag:s8], $0x0  }
0x24: {  	s3 =	sadd.s32 $0x88, s3;
	s6 =	simm.s32 @!p1 $0x1082;
	[sflag:s4] =	ssyncset.s32 $0xFFFFF086  }
0x25: {  	[simem:s6], [sflag:s4] =	dma.local [hbm:s3], $0xF7A  }
0x26: {  	[smem:$0x3F9E] =	sst s1;
	(tag) =	ssettag s2;
	_ =	strace s9  }
0x27: {  	s1 =	sld [smem:$0x3FAE]  }
0x28: {  	s2 =	sld [smem:$0x3FAF]  }
0x29: {  	s4 =	sld [smem:$0x3FB1]  }
0x2a: {  	p0 =	seq.s32 s5, $0x0;
	s5 =	sld [smem:$0x3FB2]  }
0x2b: {  	s6 =	sld [smem:$0x3FB3]  }
0x2c: {  	s7 =	sld [smem:$0x3FB4]  }
0x2d: {  	s3 =	simm.s32 $0x108;
	s8 =	sld [smem:$0x3FB5]  }
0x2e: {  	s3 =	simm.s32 @!p0 $0x1082;
	s9 =	sld [smem:$0x3FB6]  }
0x2f: {  	lr =	sadd.s32 s0, s3;
	s0 =	sld [smem:$0x3FAD]  }
0x30: {  	s3 =	sld [smem:$0x3FB0]  }
0x31: {  	[smem:$0x3FB9] =	sst s10  }
0x32: {  	s10 =	sld [smem:$0x3FB7];
	_ =	sdelay $0x3  }
0x33: {  	p0 =	seq.s32 s10, $0x1;
	s10 =	sld [smem:$0x3FB9];
	_ =	sdelay $0x3  }
0x34: {  	[smem:$0x3FB9] =	sst s10  }
0x35: {  	s10 =	sld [smem:$0x3FB8];
	_ =	sdelay $0x3  }
0x36: {  	p1 =	seq.s32 s10, $0x1;
	s10 =	sld [smem:$0x3FB9];
	_ =	sdelay $0x3  }
0x37: {  	[smem:$0x3FB9] =	sst s10  }
0x38: {  	s10 =	sld [smem:$0x3FBA]  }
0x39: {  	_ = 	snop;
	(pc) =	sbr.ind lr, $3  }
0x3a: {  	_ = 	snop  }
0x3b: {  	_ = 	snop  }
0x3c: {  	p2 =	seq.s32 s10, $0x1;
	s10 =	sld [smem:$0x3FB9]  }
0x3d: {  	_ =	shalt  }
0x3e: {  	_ =	shalt  }
0x3f: {  	_ =	shalt  }
0x40: {  	_ =	shalt  }
0x41: {  	_ =	shalt  }
0x42: {  	_ =	shalt  }
0x43: {  	_ =	shalt  }
0x44: {  	_ =	shalt  }
0x45: {  	_ =	shalt  }
0x46: {  	_ =	shalt  }
0x47: {  	_ =	shalt  }
0x48: {  	_ =	shalt  }
0x49: {  	_ =	shalt  }
0x4a: {  	_ =	shalt  }
0x4b: {  	_ =	shalt  }
0x4c: {  	_ =	shalt  }
0x4d: {  	_ =	shalt  }
0x4e: {  	_ =	shalt  }
0x4f: {  	_ =	shalt  }
0x50: {  	_ =	shalt  }
0x51: {  	_ =	shalt  }
0x52: {  	_ =	shalt  }
0x53: {  	_ =	shalt  }
0x54: {  	_ =	shalt  }
0x55: {  	_ =	shalt  }
0x56: {  	_ =	shalt  }
0x57: {  	_ =	shalt  }
0x58: {  	_ =	shalt  }
0x59: {  	_ =	shalt  }
0x5a: {  	_ =	shalt  }
0x5b: {  	_ =	shalt  }
0x5c: {  	_ =	shalt  }
0x5d: {  	_ =	shalt  }
0x5e: {  	_ =	shalt  }
0x5f: {  	_ =	shalt  }
0x60: {  	_ =	shalt  }
0x61: {  	_ =	shalt  }
0x62: {  	_ =	shalt  }
0x63: {  	_ =	shalt  }
0x64: {  	_ =	shalt  }
0x65: {  	_ =	shalt  }
0x66: {  	_ =	shalt  }
0x67: {  	_ =	shalt  }
0x68: {  	_ =	shalt  }
0x69: {  	_ =	shalt  }
0x6a: {  	_ =	shalt  }
0x6b: {  	_ =	shalt  }
0x6c: {  	_ =	shalt  }
0x6d: {  	_ =	shalt  }
0x6e: {  	_ =	shalt  }
0x6f: {  	_ =	shalt  }
0x70: {  	_ =	shalt  }
0x71: {  	_ =	shalt  }
0x72: {  	_ =	shalt  }
0x73: {  	_ =	shalt  }
0x74: {  	_ =	shalt  }
0x75: {  	_ =	shalt  }
0x76: {  	_ =	shalt  }
0x77: {  	_ =	shalt  }
0x78: {  	_ =	shalt  }
0x79: {  	_ =	shalt  }
0x7a: {  	_ =	shalt  }
0x7b: {  	_ =	shalt  }
0x7c: {  	_ =	shalt  }
0x7d: {  	_ =	shalt  }
0x7e: {  	_ =	shalt  }
0x7f: {  	_ =	shalt  }
0x80: {  	_ =	shalt  }
0x81: {  	_ =	shalt  }
0x82: {  	_ =	shalt  }
0x83: {  	_ =	shalt  }
0x84: {  	_ =	shalt  }
0x85: {  	_ =	shalt  }
0x86: {  	_ =	shalt  }
0x87: {  	_ =	shalt  }
.Lfunc_end0:
.L_simem_size_0:
called_computation_lowered:
.L_overlay_start_0:
0x88: {  	s2 =	sld [smem:$0x3FD9]  }
0x89: {  	s3 =	sld [smem:$0x3FFE];
	_ =	sdelay $0x1  }
0x8a: {  	s1 =	srdreg.scid  }
0x8b: {  	s0 =	sand.u32 $0x1, s1  }
0x8c: {  	s17 =	sshll.u32 s0, $0xA;
	s2 =	sadd.s32 s3, s2  }
0x8d: {  	s2 =	sadd.s32 s2, s17  }
0x8e: {  	[smem:$0x3FC5] =	sst s2  }
0x8f: {  	_ = 	snop  }
0x90: {  	s2 =	sld [smem:$0x3FC9]  }
0x91: {  	s18 =	sld [smem:$0x3FD0];
	(tm) =	ssettm $0x1  }
0x92: {  	s4 =	sld [smem:$0x3FFB];
	_ =	sdelay $0x3  }
0x93: {  	_ =	strace s4  }
0x94: {  	s4 =	sld [smem:$0x3FFC];
	_ =	sdelay $0x3  }
0x95: {  	_ =	strace s4  }
0x96: {  	s4 =	sld [smem:$0x3FFD];
	_ =	sdelay $0x3  }
0x97: {  	_ =	strace s4  }
0x98: {  	_ =	strace $0x8FFFFFFF  }
0x99: {  	s19 =	sld [smem:$0x3FDB];
	_ =	sdelay $0x1  }
0x9a: {  	s5 =	simm.s32 $_scs_section_size  }
0x9b: {  	s6 =	simm.s32 $_size__tile_overlayer_lowered;
	s7 =	simm.s32 $_tile_overlayer_lowered  }
0x9c: {  	s22 =	simm.s32 $0x1BFF;
	s21 =	sshll.u32 s7, $0x1;
	s4 =	sadd.s32 s5, s19  }
0x9d: {  	s8 =	simm.s32 $0x0;
	s20 =	sshll.u32 s6, $0x1;
	s6 =	sadd.s32 s21, s4  }
0x9e: {  	[timem:s8], [sflag:s22] =	dma.local [hbm:s6], s20  }
0x9f: {  	_ =	swait.ge [sflag:s22], s20  }
0xa0: {  	s5 =	ssub.s32 $0x0, s20;
	[sflag:s22] =	ssyncset.done $0x0  }
0xa1: {  	[sflag:s22] =	ssyncadd.s32 s5;
	_ =	sdelay $0x1  }
0xa2: {  	s23 =	simm.s32 $0x1B8B  }
0xa3: {  	_ =	swait.ge [sflag:s23], $0x1  }
0xa4: {  	[sflag:s23] =	ssyncset.done $0x0  }
0xa5: {  	s25 =	simm.s32 $0x1B8E;
	s24 =	sld [smem:$0x3FFE];
	[sflag:s23] =	ssyncadd.s32 $0xFFFFFFFF  }
0xa6: {  	s26 =	simm.s32 $execute0_lowered;
	[smem:$0x3FD2] =	sst s25  }
0xa7: {  	s6 =	sshll.u32 s26, $0x1;
	_ =	strace $0x80000046;
	[dreg:$0x1] =	wrdreg $0xFFFFFFFF  }
0xa8: {  	s28 =	simm.s32 $_size_execute0_lowered;
	s4 =	sadd.s32 s4, s6;
	[dreg:$0x0] =	wrdreg $0x0  }
0xa9: {  	s6 =	sshll.u32 s28, $0x1;
	[dreg:$0x2] =	wrdreg s4  }
0xaa: {  	[dreg:$0x3] =	wrdreg s6  }
0xab: {  	[dreg:$0x4] =	wrdreg $0xC0  }
0xac: {  	_ =	task [dreg:s8], $0x5FFFF  }
0xad: {  	[dreg:$0x1] =	wrdreg $0xFFFFFFFF  }
0xae: {  	[dreg:$0x0] =	wrdreg $0x60  }
0xaf: {  	[dreg:$0x2] =	wrdreg s2  }
0xb0: {  	[dreg:$0x3] =	wrdreg s24  }
0xb1: {  	[dreg:$0x4] =	wrdreg s18  }
0xb2: {  	[dreg:$0x5] =	wrdreg $0x9  }
0xb3: {  	_ =	task.clear_ibuf [dreg:s8], $0x6FFFF;
	_ =	strace $0x90000046  }
0xb4: {  	s29 =	simm.s32 $0x9;
	_ =	strace $0x80000048  }
0xb5: {  	_ =	swait.ge [sflag:s29], $0x1  }
0xb6: {  	[sflag:s29] =	ssyncadd.s32 $0xFFFFFFFF  }
0xb7: {  	_ =	strace $0x90000048  }
0xb8: {  	_ =	sfence  }
0xb9: {  	s30 =	sld [smem:$0x0];
	_ =	sdelay $0x2  }
0xba: {  	s31 =	sshll.u32 s1, $0xD;
	s1 =	sshrl.u32 s1, $0x2  }
0xbb: {  	s3 =	sand.u32 $0x4000, s31;
	s1 =	sadd.s32 s1, s30  }
0xbc: {  	s0 =	sor.u32 s3, s0;
	s1 =	sshll.u32 s1, $0x11  }
0xbd: {  	s0 =	sor.u32 s1, s0  }
0xbe: {  	s0 =	sadd.s32 $0x8F2B, s0  }
0xbf: {  	[sflag:s0] =	ssyncadd.remote.s32 $0x1  }
0xc0: {  	_ =	sfence.sel $0xFFFF  }
0xc1: {  	[dreg:$0x0] =	wrdreg $0xFFFFFFFF;
	(pc) =	sbr.abs _section_cstart, $3  }
0xc2: {  	[dreg:$0x1] =	wrdreg $0xFFFFFFFF  }
0xc3: {  	_ =	task.clear_ibuf [dreg:s8], $0x2FFFF;
	_ =	strace $0x9FFFFFFF  }
0xc4: {  	(tm) =	ssettm $0x7FFFFFFF  }
0xc5: {  	_ =	shalt  }
tec
execute0_lowered:
.L_overlay_start_1:
0x0: {  	(tag) =	ssettag $0x1  }
0x1: {  	s1 =	rddreg [dreg:$0x0]  }
0x2: {  	s0 =	srdreg.scid;
	s4 =	rddreg [dreg:$0x1]  }
0x3: {  	s12 =	stileid.u32;
	s5 =	rddreg [dreg:$0x2];
	s3 =	simm.s32 $0x0  }
0x4: {  	s13 =	simm.s32 $0x5;
	s14 =	simm.s32 $0x4000;
	s15 =	simm.s32 $0x50  }
0x5: {  	s16 =	simm.s32 $0x8000;
	s17 =	simm.s32 $0xD000;
	s18 =	simm.s32 $0x12000  }
0x6: {  	s19 =	simm.s32 $0xA800;
	s20 =	simm.s32 $0xF800;
	s21 =	simm.s32 $0x14800  }
0x7: {  	s28 =	simm.s32 $0x4;
	s29 =	simm.s32 $0x0;
	s9 =	smul.u32 $0x4E20, s12  }
0x8: {  	s0 =	sand.u32 $0x1, s0;
	s2 =	sshll.u32 s12, $0x1;
	s30 =	smul.u32 $0x4E200, s12  }
0x9: {  	[smem:$0x7FF] =	sst s3;
	s2 =	sor.u32 s0, s2;
	s11 =	smul.u32 $0x2710, s0  }
0xa: {  	_ =	strace $0x80000047;
	s8 =	ssub.s32 $0x2, s0;
	s0 =	smul.u32 $0x27100, s0  }
0xb: {  	s6 =	smul.u32 $0x2710, s2;
	s7 =	sshll.u32 s2, $0xB;
	s10 =	sshrl.u32 s8, $0x1  }
0xc: {  	s2 =	smul.u32 $0x27100, s2;
	s7 =	sadd.s32 s7, s4;
	s4 =	sadd.s32 $0x20400, s4  }
0xd: {  	s10 =	ssub.s32 s8, s10;
	s9 =	sadd.s32 s11, s9;
	s6 =	sshrl.u32 s6, $0x3  }
0xe: {  	s22 =	sadd.s32 $0x400, s7;
	s7 =	sadd.s32 $0x10400, s7;
	s24 =	sshrl.u32 s9, $0x3  }
0xf: {  	s2 =	sadd.s32 s5, s2;
	s31 =	sadd.s32 $0x50, s9;
	[dreg:$0x5] =	wrdreg s22  }
0x10: {  	s5 =	sadd.s32 s30, s5;
	s6 =	smul.u32 $0xC00, s6;
	[dreg:$0x6] =	wrdreg s7  }
0x11: {  	s10 =	smax.u32 s10, $0x1;
	[dreg:$0x7] =	wrdreg s2;
	s25 =	smul.u32 $0x180, s24  }
0x12: {  	s12 =	sshrl.u32 s31, $0x3;
	s0 =	sadd.s32 s0, s5;
	s22 =	simm.s32 $0x1  }
0x13: {  	s24 =	simm.s32 $0xC00;
	s12 =	smul.u32 $0x180, s12;
	s6 =	sadd.s32 $0x3A2000, s6  }
0x14: {  	s11 =	sadd.s32 $0x500, s0;
	s2 =	sadd.s32 s25, s4;
	s23 =	sshrl.u32 s6, $0x3  }
0x15: {  	s25 =	simm.s32 $0x3;
	[dreg:$0x4] =	wrdreg s2;
	s7 =	sadd.s32 s4, s23  }
0x16: {  	s12 =	sadd.s32 s12, s4;
	s23 =	simm.s32 $0x400;
	s26 =	sadd.s32 $0x80, s7  }
0x17: {  	s9 =	sadd.s32 $0x100, s7;
	[dreg:$0x8] =	wrdreg s26;
	s26 =	simm.s32 $0x2  }
.LBB2_1:
0x18: {  	s0 =	rddreg [dreg:$0x5]  }
0x19: {  	[tilespmem:s3], [sflag:$0x5] =	stream.linear.gather [hbm4b:s0+s3], $0x3E80, $0x38;
	[tilespmem:$0x17000] =	vst v63  }
0x1a: {  	_ =	swait.ge [sflag:s13], $0x3E80  }
0x1b: {  	[sflag:s13] =	ssyncset.done $0x0  }
0x1c: {  	s2 =	rddreg [dreg:$0x6];
	[sflag:s13] =	ssyncadd.s32 $0xFFFFC180  }
0x1d: {  	[tilespmem:s14], [sflag:$0x5] =	stream.linear.gather [hbm4b:s2+s3], $0x3E80, $0x38;
	[tilespmem:$0x17000] =	vst v63  }
0x1e: {  	_ =	swait.ge [sflag:s13], $0x3E80  }
0x1f: {  	[sflag:s13] =	ssyncset.done $0x0  }
0x20: {  	[sflag:s13] =	ssyncadd.s32 $0xFFFFC180  }
0x21: {  	[tilespmem:s16], [sflag:$0x1] =	stream.indirect.gather [hbm4b:s1+s15], $0x80, s3, s15, $0xb8;
	[tilespmem:$0x17000] =	vst v63  }
0x22: {  	p0 =	por $0x1, $0x1  }
0x23: {  	[tilespmem:s17], [sflag:$0x1] =	stream.indirect.gather [hbm4b:s1+s15], $0x80, s14, s15, $0xb8;
	[tilespmem:$0x17000] =	vst v63  }
0x24: {  	s0 =	simm.s32 @!p0 $0x4;
	s4 =	rddreg [dreg:$0x7]  }
0x25: {  	[tilespmem:s18], [sflag:$0x1] =	stream.linear.gather [hbm4b:s4+s3], $0x2800, $0x38;
	[tilespmem:$0x17000] =	vst v63  }
0x26: {  	_ =	swait.ge @!p0 [sflag:s0], $0x2800  }
0x27: {  	[sflag:s0] =	ssyncset.done @!p0 $0x0  }
0x28: {  	[sflag:s0] =	ssyncadd.s32 @!p0 $0xFFFFD800  }
0x29: {  	_ =	swait.ge @!p0 [sflag:s0], $0x2800  }
0x2a: {  	[sflag:s0] =	ssyncset.done @!p0 $0x0  }
0x2b: {  	[sflag:s0] =	ssyncadd.s32 @!p0 $0xFFFFD800  }
0x2c: {  	_ =	swait.ge @!p0 [sflag:s0], $0x2800  }
0x2d: {  	[sflag:s0] =	ssyncset.done @!p0 $0x0  }
0x2e: {  	s5 =	simm.s32 $0x80;
	[sflag:s0] =	ssyncadd.s32 @!p0 $0xFFFFD800  }
0x2f: {  	[tilespmem:s19], [sflag:$0x2] =	stream.indirect.gather [hbm4b:s1+s15], $0x80, s5, s15, $0xb8;
	[tilespmem:$0x17000] =	vst v63  }
0x30: {  	s6 =	simm.s32 $0x4080  }
0x31: {  	[tilespmem:s20], [sflag:$0x2] =	stream.indirect.gather [hbm4b:s1+s15], $0x80, s6, s15, $0xb8;
	[tilespmem:$0x17000] =	vst v63  }
0x32: {  	_ = 	snop  }
0x33: {  	[tilespmem:s21], [sflag:$0x2] =	stream.linear.gather [hbm4b:s11+s3], $0x2800, $0x38;
	[tilespmem:$0x17000] =	vst v63  }
0x34: {  	_ =	swait.ge [sflag:s22], $0x2800  }
0x35: {  	[sflag:s22] =	ssyncset.done $0x0  }
0x36: {  	[sflag:s22] =	ssyncadd.s32 $0xFFFFD800  }
0x37: {  	_ =	swait.ge [sflag:s22], $0x2800  }
0x38: {  	[sflag:s22] =	ssyncset.done $0x0  }
0x39: {  	[sflag:s22] =	ssyncadd.s32 $0xFFFFD800  }
0x3a: {  	_ =	swait.ge [sflag:s22], $0x2800  }
0x3b: {  	s8 =	rddreg [dreg:$0x4];
	[sflag:s22] =	ssyncset.done $0x0  }
0x3c: {  	[sflag:s22] =	ssyncadd.s32 $0xFFFFD800;
	s0 =	sadd.s32 $0x0, s8  }
0x3d: {  	[hbm4b:s0+s23] =	stream.strided.scatter [tilespmem:s16], [sflag:$0x3], $0x2800, s24, s23, $0x38;
	[tilespmem:$0x17000] =	vst v63  }
0x3e: {  	s2 =	sadd.s32 $0x80, s0  }
0x3f: {  	[hbm4b:s2+s23] =	stream.strided.scatter [tilespmem:s17], [sflag:$0x3], $0x2800, s24, s23, $0x38;
	[tilespmem:$0x17000] =	vst v63  }
0x40: {  	s0 =	sadd.s32 $0x100, s0  }
0x41: {  	[hbm4b:s0+s23] =	stream.strided.scatter [tilespmem:s18], [sflag:$0x3], $0x2800, s24, s23, $0x38;
	[tilespmem:$0x17000] =	vst v63  }
0x42: {  	_ =	swait.ge [sflag:s25], $0x2800  }
0x43: {  	[sflag:s25] =	ssyncset.done $0x0  }
0x44: {  	[sflag:s25] =	ssyncadd.s32 $0xFFFFD800  }
0x45: {  	_ =	swait.ge [sflag:s25], $0x2800  }
0x46: {  	[sflag:s25] =	ssyncset.done $0x0  }
0x47: {  	[sflag:s25] =	ssyncadd.s32 $0xFFFFD800  }
0x48: {  	_ =	swait.ge [sflag:s25], $0x2800  }
0x49: {  	[sflag:s25] =	ssyncset.done $0x0  }
0x4a: {  	s2 =	simm.s32 $0x100;
	[sflag:s25] =	ssyncadd.s32 $0xFFFFD800  }
0x4b: {  	[tilespmem:s16], [sflag:$0x1] =	stream.indirect.gather [hbm4b:s1+s15], $0x80, s2, s15, $0xb8;
	[tilespmem:$0x17000] =	vst v63  }
0x4c: {  	s4 =	simm.s32 $0x4100  }
0x4d: {  	[tilespmem:s17], [sflag:$0x1] =	stream.indirect.gather [hbm4b:s1+s15], $0x80, s4, s15, $0xb8;
	[tilespmem:$0x17000] =	vst v63  }
0x4e: {  	s5 =	sadd.s32 $0x500, s11  }
0x4f: {  	[tilespmem:s18], [sflag:$0x1] =	stream.linear.gather [hbm4b:s5+s3], $0x2800, $0x38;
	[tilespmem:$0x17000] =	vst v63  }
0x50: {  	_ =	swait.ge [sflag:s26], $0x2800  }
0x51: {  	[sflag:s26] =	ssyncset.done $0x0  }
0x52: {  	[sflag:s26] =	ssyncadd.s32 $0xFFFFD800  }
0x53: {  	_ =	swait.ge [sflag:s26], $0x2800  }
0x54: {  	[sflag:s26] =	ssyncset.done $0x0  }
0x55: {  	[sflag:s26] =	ssyncadd.s32 $0xFFFFD800  }
0x56: {  	s30 =	simm.s32 $0x1E00;
	_ =	swait.ge [sflag:s26], $0x2800  }
0x57: {  	s31 =	sadd.s32 $0xA00, s11;
	s6 =	sadd.s32 $0x0, s12;
	[sflag:s26] =	ssyncset.done $0x0  }
0x58: {  	p1 =	por $0x0, $0x0;
	s8 =	sadd.s32 $0x80, s6;
	[sflag:s26] =	ssyncadd.s32 $0xFFFFD800  }
0x59: {  	[hbm4b:s6+s23] =	stream.strided.scatter [tilespmem:s19], [sflag:$0x4], $0x2800, s24, s23, $0x38;
	[tilespmem:$0x17000] =	vst v63  }
0x5a: {  	s0 =	simm.s32 $0x3C00;
	s2 =	simm.s32 $0x0;
	s5 =	sadd.s32 $0x100, s6  }
0x5b: {  	[hbm4b:s8+s23] =	stream.strided.scatter [tilespmem:s20], [sflag:$0x4], $0x2800, s24, s23, $0x38;
	[tilespmem:$0x17000] =	vst v63  }
.LBB2_2:
0x5c: {  	s6 =	simm.s32 @!p1 $0x4  }
0x5d: {  	[hbm4b:s5+s23] =	stream.strided.scatter [tilespmem:s21], [sflag:$0x4], $0x2800, s24, s23, $0x38;
	[tilespmem:$0x17000] =	vst v63  }
0x5e: {  	_ =	swait.ge @!p1 [sflag:s6], $0x2800  }
0x5f: {  	[sflag:s6] =	ssyncset.done @!p1 $0x0  }
0x60: {  	[sflag:s6] =	ssyncadd.s32 @!p1 $0xFFFFD800  }
0x61: {  	_ =	swait.ge @!p1 [sflag:s6], $0x2800  }
0x62: {  	[sflag:s6] =	ssyncset.done @!p1 $0x0  }
0x63: {  	[sflag:s6] =	ssyncadd.s32 @!p1 $0xFFFFD800  }
0x64: {  	s2 =	sadd.s32 $0x400, s2;
	_ =	swait.ge @!p1 [sflag:s6], $0x2800  }
0x65: {  	s5 =	sshra.s32 s2, $0x2;
	[sflag:s6] =	ssyncset.done @!p1 $0x0  }
0x66: {  	s8 =	sadd.s32 $0x80, s5;
	[sflag:s6] =	ssyncadd.s32 @!p1 $0xFFFFD800  }
0x67: {  	[tilespmem:s19], [sflag:$0x2] =	stream.indirect.gather [hbm4b:s1+s15], $0x80, s8, s15, $0xb8;
	[tilespmem:$0x17000] =	vst v63  }
0x68: {  	s8 =	sadd.s32 $0x4080, s5  }
0x69: {  	[tilespmem:s20], [sflag:$0x2] =	stream.indirect.gather [hbm4b:s1+s15], $0x80, s8, s15, $0xb8;
	[tilespmem:$0x17000] =	vst v63  }
0x6a: {  	_ = 	snop  }
0x6b: {  	[tilespmem:s21], [sflag:$0x2] =	stream.linear.gather [hbm4b:s31+s3], $0x2800, $0x38;
	[tilespmem:$0x17000] =	vst v63  }
0x6c: {  	_ =	swait.ge [sflag:s22], $0x2800  }
0x6d: {  	[sflag:s22] =	ssyncset.done $0x0  }
0x6e: {  	[sflag:s22] =	ssyncadd.s32 $0xFFFFD800  }
0x6f: {  	_ =	swait.ge [sflag:s22], $0x2800  }
0x70: {  	[sflag:s22] =	ssyncset.done $0x0  }
0x71: {  	[sflag:s22] =	ssyncadd.s32 $0xFFFFD800  }
0x72: {  	_ =	swait.ge [sflag:s22], $0x2800  }
0x73: {  	s4 =	smov.u32 s30;
	s8 =	rddreg [dreg:$0x4];
	[sflag:s22] =	ssyncset.done $0x0  }
0x74: {  	[sflag:s22] =	ssyncadd.s32 $0xFFFFD800;
	s6 =	sadd.s32 s4, s8  }
0x75: {  	[hbm4b:s6+s23] =	stream.strided.scatter [tilespmem:s16], [sflag:$0x3], $0x2800, s24, s23, $0x38;
	[tilespmem:$0x17000] =	vst v63  }
0x76: {  	s8 =	sadd.s32 $0x80, s6  }
0x77: {  	[hbm4b:s8+s23] =	stream.strided.scatter [tilespmem:s17], [sflag:$0x3], $0x2800, s24, s23, $0x38;
	[tilespmem:$0x17000] =	vst v63  }
0x78: {  	s6 =	sadd.s32 $0x100, s6  }
0x79: {  	[hbm4b:s6+s23] =	stream.strided.scatter [tilespmem:s18], [sflag:$0x3], $0x2800, s24, s23, $0x38;
	[tilespmem:$0x17000] =	vst v63  }
0x7a: {  	_ =	swait.ge [sflag:s25], $0x2800  }
0x7b: {  	[sflag:s25] =	ssyncset.done $0x0  }
0x7c: {  	[sflag:s25] =	ssyncadd.s32 $0xFFFFD800  }
0x7d: {  	_ =	swait.ge [sflag:s25], $0x2800  }
0x7e: {  	[sflag:s25] =	ssyncset.done $0x0  }
0x7f: {  	[sflag:s25] =	ssyncadd.s32 $0xFFFFD800  }
0x80: {  	_ =	swait.ge [sflag:s25], $0x2800  }
0x81: {  	[sflag:s25] =	ssyncset.done $0x0  }
0x82: {  	s8 =	sadd.s32 $0x100, s5;
	[sflag:s25] =	ssyncadd.s32 $0xFFFFD800  }
0x83: {  	[tilespmem:s16], [sflag:$0x1] =	stream.indirect.gather [hbm4b:s1+s15], $0x80, s8, s15, $0xb8;
	[tilespmem:$0x17000] =	vst v63  }
0x84: {  	s5 =	sadd.s32 $0x4100, s5  }
0x85: {  	[tilespmem:s17], [sflag:$0x1] =	stream.indirect.gather [hbm4b:s1+s15], $0x80, s5, s15, $0xb8;
	[tilespmem:$0x17000] =	vst v63  }
0x86: {  	s6 =	sadd.s32 $0x500, s31  }
0x87: {  	[tilespmem:s18], [sflag:$0x1] =	stream.linear.gather [hbm4b:s6+s3], $0x2800, $0x38;
	[tilespmem:$0x17000] =	vst v63  }
0x88: {  	_ =	swait.ge [sflag:s26], $0x2800  }
0x89: {  	[sflag:s26] =	ssyncset.done $0x0  }
0x8a: {  	[sflag:s26] =	ssyncadd.s32 $0xFFFFD800  }
0x8b: {  	_ =	swait.ge [sflag:s26], $0x2800  }
0x8c: {  	[sflag:s26] =	ssyncset.done $0x0  }
0x8d: {  	s30 =	smov.u32 s0;
	s0 =	sadd.s32 $0x1E00, s0;
	[sflag:s26] =	ssyncadd.s32 $0xFFFFD800  }
0x8e: {  	p0 =	sne.s32 s0, $0x74400;
	_ =	swait.ge [sflag:s26], $0x2800  }
.Ltmp0:
0x8f: {  	[sflag:s26] =	ssyncset.done $0x0;
	(pc) =	sbr.rel @p0 .LBB2_2-.Ltmp0, $4  }
0x90: {  	p1 =	seq.s32 s30, $0x0;
	s4 =	sadd.s32 s4, s12;
	[sflag:s26] =	ssyncadd.s32 $0xFFFFD800  }
0x91: {  	[hbm4b:s4+s23] =	stream.strided.scatter [tilespmem:s19], [sflag:$0x4], $0x2800, s24, s23, $0x38;
	[tilespmem:$0x17000] =	vst v63  }
0x92: {  	s31 =	sadd.s32 $0xA00, s31;
	s8 =	sadd.s32 $0x80, s4;
	s5 =	sadd.s32 $0x100, s4  }
0x93: {  	[hbm4b:s8+s23] =	stream.strided.scatter [tilespmem:s20], [sflag:$0x4], $0x2800, s24, s23, $0x38;
	[tilespmem:$0x17000] =	vst v63  }
0x94: {  	s0 =	simm.s32 @!p1 $0x4  }
0x95: {  	[hbm4b:s5+s23] =	stream.strided.scatter [tilespmem:s21], [sflag:$0x4], $0x2800, s24, s23, $0x38;
	[tilespmem:$0x17000] =	vst v63  }
0x96: {  	_ =	swait.ge @!p1 [sflag:s0], $0x2800  }
0x97: {  	[sflag:s0] =	ssyncset.done @!p1 $0x0  }
0x98: {  	[sflag:s0] =	ssyncadd.s32 @!p1 $0xFFFFD800  }
0x99: {  	_ =	swait.ge @!p1 [sflag:s0], $0x2800  }
0x9a: {  	[sflag:s0] =	ssyncset.done @!p1 $0x0  }
0x9b: {  	[sflag:s0] =	ssyncadd.s32 @!p1 $0xFFFFD800  }
0x9c: {  	s2 =	sadd.s32 $0x400, s2;
	_ =	swait.ge @!p1 [sflag:s0], $0x2800  }
0x9d: {  	s2 =	sshra.s32 s2, $0x2;
	[sflag:s0] =	ssyncset.done @!p1 $0x0  }
0x9e: {  	s5 =	sadd.s32 $0x80, s2;
	[sflag:s0] =	ssyncadd.s32 @!p1 $0xFFFFD800  }
0x9f: {  	[tilespmem:s19], [sflag:$0x2] =	stream.indirect.gather [hbm4b:s1+s15], $0x80, s5, s15, $0xb8;
	[tilespmem:$0x17000] =	vst v63  }
0xa0: {  	s6 =	sadd.s32 $0x4080, s2  }
0xa1: {  	[tilespmem:s20], [sflag:$0x2] =	stream.indirect.gather [hbm4b:s1+s15], $0x80, s6, s15, $0xb8;
	[tilespmem:$0x17000] =	vst v63  }
0xa2: {  	_ = 	snop  }
0xa3: {  	[tilespmem:s21], [sflag:$0x2] =	stream.linear.gather [hbm4b:s31+s3], $0x2800, $0x38;
	[tilespmem:$0x17000] =	vst v63  }
0xa4: {  	_ =	swait.ge [sflag:s22], $0x2800  }
0xa5: {  	[sflag:s22] =	ssyncset.done $0x0  }
0xa6: {  	[sflag:s22] =	ssyncadd.s32 $0xFFFFD800  }
0xa7: {  	_ =	swait.ge [sflag:s22], $0x2800  }
0xa8: {  	[sflag:s22] =	ssyncset.done $0x0  }
0xa9: {  	[sflag:s22] =	ssyncadd.s32 $0xFFFFD800  }
0xaa: {  	_ =	swait.ge [sflag:s22], $0x2800  }
0xab: {  	s8 =	rddreg [dreg:$0x4];
	[sflag:s22] =	ssyncset.done $0x0  }
0xac: {  	[sflag:s22] =	ssyncadd.s32 $0xFFFFD800;
	s0 =	sadd.s32 s30, s8  }
0xad: {  	[hbm4b:s0+s23] =	stream.strided.scatter [tilespmem:s16], [sflag:$0x3], $0x2800, s24, s23, $0x38;
	[tilespmem:$0x17000] =	vst v63  }
0xae: {  	s4 =	sadd.s32 $0x80, s0  }
0xaf: {  	[hbm4b:s4+s23] =	stream.strided.scatter [tilespmem:s17], [sflag:$0x3], $0x2800, s24, s23, $0x38;
	[tilespmem:$0x17000] =	vst v63  }
0xb0: {  	s0 =	sadd.s32 $0x100, s0  }
0xb1: {  	[hbm4b:s0+s23] =	stream.strided.scatter [tilespmem:s18], [sflag:$0x3], $0x2800, s24, s23, $0x38;
	[tilespmem:$0x17000] =	vst v63  }
0xb2: {  	_ =	swait.ge [sflag:s25], $0x2800  }
0xb3: {  	[sflag:s25] =	ssyncset.done $0x0  }
0xb4: {  	[sflag:s25] =	ssyncadd.s32 $0xFFFFD800  }
0xb5: {  	_ =	swait.ge [sflag:s25], $0x2800  }
0xb6: {  	[sflag:s25] =	ssyncset.done $0x0  }
0xb7: {  	[sflag:s25] =	ssyncadd.s32 $0xFFFFD800  }
0xb8: {  	_ =	swait.ge [sflag:s25], $0x2800  }
0xb9: {  	[sflag:s25] =	ssyncset.done $0x0  }
0xba: {  	s4 =	sadd.s32 $0x100, s2;
	[sflag:s25] =	ssyncadd.s32 $0xFFFFD800  }
0xbb: {  	[tilespmem:s16], [sflag:$0x1] =	stream.indirect.gather [hbm4b:s1+s15], $0x80, s4, s15, $0xb8;
	[tilespmem:$0x17000] =	vst v63  }
0xbc: {  	s5 =	sadd.s32 $0x4100, s2  }
0xbd: {  	[tilespmem:s17], [sflag:$0x1] =	stream.indirect.gather [hbm4b:s1+s15], $0x80, s5, s15, $0xb8;
	[tilespmem:$0x17000] =	vst v63  }
0xbe: {  	s6 =	sadd.s32 $0x500, s31  }
0xbf: {  	[tilespmem:s18], [sflag:$0x1] =	stream.linear.gather [hbm4b:s6+s3], $0x2800, $0x38;
	[tilespmem:$0x17000] =	vst v63  }
0xc0: {  	_ =	swait.ge [sflag:s26], $0x2800  }
0xc1: {  	[sflag:s26] =	ssyncset.done $0x0  }
0xc2: {  	[sflag:s26] =	ssyncadd.s32 $0xFFFFD800  }
0xc3: {  	_ =	swait.ge [sflag:s26], $0x2800  }
0xc4: {  	[sflag:s26] =	ssyncset.done $0x0  }
0xc5: {  	[sflag:s26] =	ssyncadd.s32 $0xFFFFD800  }
0xc6: {  	_ =	swait.ge [sflag:s26], $0x2800  }
0xc7: {  	[sflag:s26] =	ssyncset.done $0x0  }
0xc8: {  	s8 =	sadd.s32 s30, s12;
	[sflag:s26] =	ssyncadd.s32 $0xFFFFD800  }
0xc9: {  	[hbm4b:s8+s23] =	stream.strided.scatter [tilespmem:s19], [sflag:$0x4], $0x2800, s24, s23, $0x38;
	[tilespmem:$0x17000] =	vst v63  }
0xca: {  	s30 =	sadd.s32 $0x80, s8  }
0xcb: {  	[hbm4b:s30+s23] =	stream.strided.scatter [tilespmem:s20], [sflag:$0x4], $0x2800, s24, s23, $0x38;
	[tilespmem:$0x17000] =	vst v63  }
0xcc: {  	s0 =	sadd.s32 $0x100, s8  }
0xcd: {  	[hbm4b:s0+s23] =	stream.strided.scatter [tilespmem:s21], [sflag:$0x4], $0x2800, s24, s23, $0x38;
	[tilespmem:$0x17000] =	vst v63  }
0xce: {  	_ =	swait.ge [sflag:s28], $0x2800  }
0xcf: {  	[sflag:s28] =	ssyncset.done $0x0  }
0xd0: {  	[sflag:s28] =	ssyncadd.s32 $0xFFFFD800  }
0xd1: {  	_ =	swait.ge [sflag:s28], $0x2800  }
0xd2: {  	[sflag:s28] =	ssyncset.done $0x0  }
0xd3: {  	[sflag:s28] =	ssyncadd.s32 $0xFFFFD800  }
0xd4: {  	_ =	swait.ge [sflag:s28], $0x2800  }
0xd5: {  	[sflag:s28] =	ssyncset.done $0x0  }
0xd6: {  	[sflag:s28] =	ssyncadd.s32 $0xFFFFD800  }
0xd7: {  	_ =	swait.ge [sflag:s22], $0x2800  }
0xd8: {  	[sflag:s22] =	ssyncset.done $0x0  }
0xd9: {  	[sflag:s22] =	ssyncadd.s32 $0xFFFFD800  }
0xda: {  	_ =	swait.ge [sflag:s22], $0x2800  }
0xdb: {  	[sflag:s22] =	ssyncset.done $0x0  }
0xdc: {  	[sflag:s22] =	ssyncadd.s32 $0xFFFFD800  }
0xdd: {  	_ =	swait.ge [sflag:s22], $0x2800  }
0xde: {  	[sflag:s22] =	ssyncset.done $0x0  }
0xdf: {  	[sflag:s22] =	ssyncadd.s32 $0xFFFFD800  }
0xe0: {  	[hbm4b:s7+s23] =	stream.strided.scatter [tilespmem:s16], [sflag:$0x3], $0x2800, s24, s23, $0x38;
	[tilespmem:$0x17000] =	vst v63  }
0xe1: {  	s31 =	rddreg [dreg:$0x8]  }
0xe2: {  	[hbm4b:s31+s23] =	stream.strided.scatter [tilespmem:s17], [sflag:$0x3], $0x2800, s24, s23, $0x38;
	[tilespmem:$0x17000] =	vst v63  }
0xe3: {  	_ = 	snop  }
0xe4: {  	[hbm4b:s9+s23] =	stream.strided.scatter [tilespmem:s18], [sflag:$0x3], $0x2800, s24, s23, $0x38;
	[tilespmem:$0x17000] =	vst v63  }
0xe5: {  	_ =	swait.ge [sflag:s25], $0x2800  }
0xe6: {  	[sflag:s25] =	ssyncset.done $0x0  }
0xe7: {  	s29 =	sadd.s32 $0x1, s29;
	[sflag:s25] =	ssyncadd.s32 $0xFFFFD800  }
0xe8: {  	p0 =	sne.s32 s29, s10;
	_ =	swait.ge [sflag:s25], $0x2800  }
.Ltmp1:
0xe9: {  	[sflag:s25] =	ssyncset.done $0x0;
	(pc) =	sbr.rel @p0 .LBB2_1-.Ltmp1, $4  }
0xea: {  	[sflag:s25] =	ssyncadd.s32 $0xFFFFD800  }
0xeb: {  	_ =	swait.ge [sflag:s25], $0x2800  }
0xec: {  	[sflag:s25] =	ssyncset.done $0x0  }
0xed: {  	[sflag:s25] =	ssyncadd.s32 $0xFFFFD800  }
0xee: {  	_ =	sfence.sel $0x180000  }
0xef: {  	[bflag:$0x0] =	sbarrier.arrive $0xFFFF  }
0xf0: {  	_ =	strace $0x90000047  }
0xf1: {  	s0 =	stileid.u32;
	[bflag:$0x2] =	sbarrier.arrive $0xFFFF  }
0xf2: {  	p0 =	sne.s32 s0, $0x0;
	s0 =	rddreg [dreg:$0x3]  }
0xf3: {  	s0 =	sadd.s32 @!p0 $0x100000, s0  }
0xf4: {  	[sflag:s0] =	ssyncadd.tile.s32 @!p0 $0x1;
	_ =	shalt  }
.Lfunc_end2:
_tile_overlayer_lowered:
.L_overlay_start_2:
0xf5: {  	(tag) =	ssettag $0x2  }
0xf6: {  	s0 =	rddreg [dreg:$0x0];
	s2 =	stileid.u32  }
0xf7: {  	s1 =	rddreg [dreg:$0x1];
	p0 =	sne.s32 s2, $0x0  }
0xf8: {  	s3 =	rddreg [dreg:$0x2];
	[bflag:$0x3] =	sbarrier.arrive $0xFFFF;
	s2 =	simm.s32 @!p0 $0x1C05  }
0xf9: {  	[timem:s3], [sflag:s2] =	dma.local @!p0 [hbm:s0], s1  }
0xfa: {  	s0 =	simm.s32 @!p0 $0x5  }
0xfb: {  	_ =	swait.ge @!p0 [sflag:s0], s1  }
0xfc: {  	s1 =	ssub.s32 @!p0 $0x0, s1;
	[sflag:s0] =	ssyncset.done @!p0 $0x0  }
0xfd: {  	[sflag:s0] =	ssyncadd.s32 @!p0 s1  }
0xfe: {  	[bflag:$0x3] =	sbarrier.arrive $0xFFFF  }
0xff: {  	_ =	shalt  }

</sc_bundles>
